<compile_context>
chip_gen: v7x
topology: tpu7x:2x2x1
jax: 0.10.2.dev20260603
libtpu: 0.0.44.dev20260713+nightly
codegen_flags: <defaults>
</compile_context>

<pallas_src>
import functools

import jax
import jax.numpy as jnp
from jax import lax
from jax.experimental import pallas as pl
from jax.experimental.pallas import tpu as pltpu
from jax.experimental.pallas import tpu_sc as plsc

N_NODES = 10000
N_EDGES = 320000
D = 128
DH = D // 2

NC = 2
NS = 16
NW = NC * NS

CH = 100
N_PAD = 10240
ROWS_PER_TILE = N_PAD // NS
ZROWS = 128

EDGE_NCHUNK = N_EDGES // NW // CH
FULL_NCHUNK = N_EDGES // NS // CH

_sc_mesh = plsc.VectorSubcoreMesh(core_axis_name="c", subcore_axis_name="s")
_sc_params = pltpu.CompilerParams(use_tc_tiling_on_sc=False)




@functools.partial(
    pl.kernel,
    out_type=jax.ShapeDtypeStruct((NC, N_PAD, 16), jnp.float32),
    mesh=_sc_mesh,
    scratch_types=[
        pltpu.VMEM((EDGE_NCHUNK, CH), jnp.int32),
        pltpu.VMEM((CH, 16), jnp.float32),
        pltpu.VMEM((ZROWS, 16), jnp.float32),
        pltpu.VMEM_SHARED((N_PAD, 16), jnp.float32),
    ],
    compiler_params=_sc_params,
)
def _sc_deg(dst_hbm, ones_hbm, zeros_hbm, out_hbm, dst_v, ones_v, zb_v, acc_sh):
    c = lax.axis_index("c")
    s = lax.axis_index("s")
    wid = s * NC + c

    pltpu.sync_copy(dst_hbm.at[wid], dst_v)
    pltpu.sync_copy(ones_hbm, ones_v)
    pltpu.sync_copy(zeros_hbm, zb_v)

    for k in range(ROWS_PER_TILE // ZROWS):
        pltpu.sync_copy(zb_v, acc_sh.at[pl.ds(s * ROWS_PER_TILE + k * ZROWS, ZROWS)])
    plsc.subcore_barrier()

    def body(j, carry):
        pltpu.sync_copy(ones_v, acc_sh.at[dst_v.at[j]], add=True)
        return carry

    lax.fori_loop(0, EDGE_NCHUNK, body, 0)
    plsc.subcore_barrier()

    r = s * ROWS_PER_TILE
    pltpu.sync_copy(acc_sh.at[pl.ds(r, ROWS_PER_TILE)],
                    out_hbm.at[c, pl.ds(r, ROWS_PER_TILE)])


@functools.partial(
    pl.kernel,
    out_type=jax.ShapeDtypeStruct((NC, N_PAD, DH), jnp.float32),
    mesh=_sc_mesh,
    scratch_types=[
        pltpu.VMEM((FULL_NCHUNK, CH), jnp.int32),
        pltpu.VMEM((FULL_NCHUNK, CH), jnp.int32),
        [pltpu.VMEM((CH, DH), jnp.float32)] * 6,
        pltpu.VMEM((ZROWS, DH), jnp.float32),
        pltpu.VMEM_SHARED((N_PAD, DH), jnp.float32),
        [pltpu.SemaphoreType.DMA] * 6,
        [pltpu.SemaphoreType.DMA] * 6,
    ],
    compiler_params=_sc_params,
)
def _sc_edge(src_hbm, dst_hbm, z_hbm, zeros_hbm, out_hbm,
             src_v, dst_v, bufs, zb_v, acc_sh, gsems, ssems):
    c = lax.axis_index("c")
    s = lax.axis_index("s")

    pltpu.sync_copy(src_hbm.at[s], src_v)
    pltpu.sync_copy(dst_hbm.at[s], dst_v)
    pltpu.sync_copy(zeros_hbm, zb_v)

    for k in range(ROWS_PER_TILE // ZROWS):
        pltpu.sync_copy(zb_v, acc_sh.at[pl.ds(s * ROWS_PER_TILE + k * ZROWS, ZROWS)])
    plsc.subcore_barrier()

    zc = z_hbm.at[c]

    def slot(j, b, b2):
        pltpu.make_async_copy(zc.at[src_v.at[j]], bufs[b], gsems[b]).wait()
        pltpu.async_copy(bufs[b], acc_sh.at[dst_v.at[j]], ssems[b], add=True)
        pltpu.make_async_copy(bufs[b2], acc_sh.at[dst_v.at[j - 2]],
                              ssems[b2]).wait()
        pltpu.async_copy(zc.at[src_v.at[j + 4]], bufs[b2], gsems[b2])

    for b in range(4):
        pltpu.async_copy(zc.at[src_v.at[b]], bufs[b], gsems[b])
    for j in range(2):
        pltpu.make_async_copy(zc.at[src_v.at[j]], bufs[j], gsems[j]).wait()
        pltpu.async_copy(bufs[j], acc_sh.at[dst_v.at[j]], ssems[j], add=True)
        pltpu.async_copy(zc.at[src_v.at[j + 4]], bufs[j + 4], gsems[j + 4])

    def body(g, carry):
        for bp in range(6):
            j = 6 * g + 2 + bp
            slot(j, (2 + bp) % 6, bp % 6)
        return carry

    _MAIN = (FULL_NCHUNK - 6) // 6
    lax.fori_loop(0, _MAIN, body, 0)
    for j in range(6 * _MAIN + 2, FULL_NCHUNK - 4):
        slot(j, j % 6, (j - 2) % 6)
    for j in range(FULL_NCHUNK - 4, FULL_NCHUNK):
        b = j % 6
        b2 = (j - 2) % 6
        pltpu.make_async_copy(zc.at[src_v.at[j]], bufs[b], gsems[b]).wait()
        pltpu.async_copy(bufs[b], acc_sh.at[dst_v.at[j]], ssems[b], add=True)
        pltpu.make_async_copy(bufs[b2], acc_sh.at[dst_v.at[j - 2]],
                              ssems[b2]).wait()
    for j in range(FULL_NCHUNK - 2, FULL_NCHUNK):
        b = j % 6
        pltpu.make_async_copy(bufs[b], acc_sh.at[dst_v.at[j]], ssems[b]).wait()

    plsc.subcore_barrier()

    r = s * ROWS_PER_TILE
    pltpu.sync_copy(acc_sh.at[pl.ds(r, ROWS_PER_TILE)],
                    out_hbm.at[c, pl.ds(r, ROWS_PER_TILE)])



_BLK = 2000
_GRID = N_NODES // _BLK




def _tc_dpk_body(deg_ref, dpk_ref):
    cnt = deg_ref[0] + deg_ref[1] + 1.0
    d = lax.rsqrt(cnt)
    dp = d.reshape(_BLK // 2, 2, 16)
    de = dp[:, 0, :]
    do = dp[:, 1, :]
    dpk_ref[...] = jnp.concatenate([de, de, de, de, do, do, do, do], axis=1)


def _tc_mm_body(x_ref, w_ref, y_ref):
    y_ref[...] = jnp.dot(x_ref[...], w_ref[...],
                         preferred_element_type=jnp.float32)


def _tc_scale_body(y_ref, dpk_ref, z_ref):
    dpk = dpk_ref[...]
    de = dpk[:, 0:1]
    do = dpk[:, DH:DH + 1]
    y3 = y_ref[...].reshape(_BLK // 2, 2, D)
    ye = de * y3[:, 0, :]
    yo = do * y3[:, 1, :]
    z_ref[0] = jnp.concatenate([ye[:, :DH], yo[:, :DH]], axis=1)
    z_ref[1] = jnp.concatenate([ye[:, DH:], yo[:, DH:]], axis=1)


def _tc_mid_body(z_ref, acc_ref, dpk_ref, b_ref, w_ref, h_ref, zn_ref):
    dpk = dpk_ref[...]
    hlo = jnp.maximum(dpk * (z_ref[0] + acc_ref[0]) + b_ref[0], 0.0)
    hhi = jnp.maximum(dpk * (z_ref[1] + acc_ref[1]) + b_ref[1], 0.0)
    h_ref[0] = hlo
    h_ref[1] = hhi
    he = jnp.concatenate([hlo[:, :DH], hhi[:, :DH]], axis=1)
    ho = jnp.concatenate([hlo[:, DH:], hhi[:, DH:]], axis=1)
    ye = jnp.dot(he, w_ref[...], preferred_element_type=jnp.float32)
    yo = jnp.dot(ho, w_ref[...], preferred_element_type=jnp.float32)
    zn_ref[0] = dpk * jnp.concatenate([ye[:, :DH], yo[:, :DH]], axis=1)
    zn_ref[1] = dpk * jnp.concatenate([ye[:, DH:], yo[:, DH:]], axis=1)


def _tc_unpack_body(hp_ref, h_ref):
    he = jnp.concatenate([hp_ref[0][:, :DH], hp_ref[1][:, :DH]], axis=1)
    ho = jnp.concatenate([hp_ref[0][:, DH:], hp_ref[1][:, DH:]], axis=1)
    h_ref[...] = jnp.stack([he, ho], axis=1).reshape(_BLK, D)


_row_spec = pl.BlockSpec((_BLK, D), lambda i: (i, 0))
_pk_spec = pl.BlockSpec((NC, _BLK // 2, D), lambda i: (0, i, 0))
_dpk_spec = pl.BlockSpec((_BLK // 2, D), lambda i: (i, 0))
_deg_spec = pl.BlockSpec((NC, _BLK, 16), lambda i: (0, i, 0))
_w_spec = pl.BlockSpec((D, D), lambda i: (0, 0))
_bp_spec = pl.BlockSpec((NC, 1, D), lambda i: (0, 0, 0))
_zp_shape = jax.ShapeDtypeStruct((NC, N_NODES // 2, D), jnp.float32)
_dpk_shape = jax.ShapeDtypeStruct((N_NODES // 2, D), jnp.float32)
_h_shape = jax.ShapeDtypeStruct((N_NODES, D), jnp.float32)

_tc_dpk = pl.pallas_call(
    _tc_dpk_body,
    grid=(_GRID,),
    in_specs=[_deg_spec],
    out_specs=_dpk_spec,
    out_shape=_dpk_shape,
)

_tc_mm = pl.pallas_call(
    _tc_mm_body,
    grid=(_GRID,),
    in_specs=[_row_spec, _w_spec],
    out_specs=_row_spec,
    out_shape=_h_shape,
)

_tc_scale = pl.pallas_call(
    _tc_scale_body,
    grid=(_GRID,),
    in_specs=[_row_spec, _dpk_spec],
    out_specs=_pk_spec,
    out_shape=_zp_shape,
)

_tc_mid = pl.pallas_call(
    _tc_mid_body,
    grid=(_GRID,),
    in_specs=[_pk_spec, _pk_spec, _dpk_spec, _bp_spec, _w_spec],
    out_specs=(_pk_spec, _pk_spec),
    out_shape=(_zp_shape, _zp_shape),
)

_tc_unpack = pl.pallas_call(
    _tc_unpack_body,
    grid=(_GRID,),
    in_specs=[_pk_spec],
    out_specs=_row_spec,
    out_shape=_h_shape,
)




def kernel(x, edge_index, W1, b1, W2, b2, W3, b3):
    ei = edge_index.astype(jnp.int32)
    src32 = ei[0].reshape(NW, EDGE_NCHUNK, CH)
    dst32 = ei[1].reshape(NW, EDGE_NCHUNK, CH)
    src16 = ei[0].reshape(NS, FULL_NCHUNK, CH)
    dst16 = ei[1].reshape(NS, FULL_NCHUNK, CH)

    ones16 = jnp.ones((CH, 16), jnp.float32)
    zeros16 = jnp.zeros((ZROWS, 16), jnp.float32)
    zerosH = jnp.zeros((ZROWS, DH), jnp.float32)

    degp = _sc_deg(dst32, ones16, zeros16)
    y1 = _tc_mm(x, W1)
    dpk = _tc_dpk(degp)
    z1 = _tc_scale(y1, dpk)

    def pack_b(b):
        return jnp.stack([jnp.concatenate([b[:DH], b[:DH]]),
                          jnp.concatenate([b[DH:], b[DH:]])]).reshape(NC, 1, D)

    bs = jnp.stack([pack_b(b1), pack_b(b2), pack_b(b3)])
    Ws = jnp.stack([W2, W3, W3])

    def layer(z, inputs):
        b, w = inputs
        acc = _sc_edge(src16, dst16, z.reshape(NC, N_NODES, DH), zerosH)
        h, zn = _tc_mid(z, acc.reshape(NC, N_PAD // 2, D), dpk, b, w)
        return zn, h

    _, hs = lax.scan(layer, z1, (bs, Ws))
    return _tc_unpack(hs[2])

# --- scband reference (transcript-rebuilt; emitter-appended) ---
"""Pipeline reference for scband-graph-encoder-79104707657806 (READ-ONLY COPY).

The authoritative reference and input builder live on the scoring server;
editing this copy changes nothing except your own understanding.
"""

import jax, jax.numpy as jnp
import numpy as np

N_NODES = 10000
N_EDGES = 320000
D_FEAT = 128
D_HID = 128


def gcn_conv(x, edge_index, W, b, n_nodes):
    # PyG GCNConv semantics: linear transform, add self-loops, symmetric norm, aggregate
    x = x @ W
    src = edge_index[0]
    dst = edge_index[1]
    loop = jnp.arange(n_nodes, dtype=edge_index.dtype)
    src = jnp.concatenate([src, loop])
    dst = jnp.concatenate([dst, loop])
    deg = jax.ops.segment_sum(jnp.ones_like(dst, dtype=x.dtype), dst, num_segments=n_nodes)
    deg_inv_sqrt = jnp.where(deg > 0, 1.0 / jnp.sqrt(deg), 0.0)
    norm = deg_inv_sqrt[src] * deg_inv_sqrt[dst]
    msg = x[src] * norm[:, None]
    out = jax.ops.segment_sum(msg, dst, num_segments=n_nodes)
    return out + b


def setup_inputs(seed: int = 0) -> dict:
    key = jax.random.key(seed)
    ks = jax.random.split(key, 8)
    x = jax.random.normal(ks[0], (N_NODES, D_FEAT), dtype=jnp.float32)
    edge_index = jax.random.randint(ks[1], (2, N_EDGES), 0, N_NODES, dtype=jnp.int64)
    def glorot(k, fan_in, fan_out):
        s = jnp.sqrt(6.0 / (fan_in + fan_out))
        return jax.random.uniform(k, (fan_in, fan_out), dtype=jnp.float32, minval=-s, maxval=s)
    W1 = glorot(ks[2], D_FEAT, D_HID)
    b1 = jnp.zeros((D_HID,), dtype=jnp.float32)
    W2 = glorot(ks[3], D_HID, D_HID)
    b2 = jnp.zeros((D_HID,), dtype=jnp.float32)
    W3 = glorot(ks[4], D_HID, D_HID)
    b3 = jnp.zeros((D_HID,), dtype=jnp.float32)
    return {"x": x, "edge_index": edge_index, "W1": W1, "b1": b1, "W2": W2, "b2": b2, "W3": W3, "b3": b3}


def reference(x, edge_index, W1, b1, W2, b2, W3, b3):
    h = gcn_conv(x, edge_index, W1, b1, N_NODES)
    h = jax.nn.relu(h)
    h = gcn_conv(h, edge_index, W2, b2, N_NODES)
    h = jax.nn.relu(h)
    h = gcn_conv(h, edge_index, W3, b3, N_NODES)
    h = jax.nn.relu(h)
    return h

if __name__ == "__main__":
    import jax
    _d = setup_inputs()
    print(jax.jit(kernel)(*tuple(_d.values())))

</pallas_src>

<mosaic_0001>
#map = affine_map<(d0, d1) -> (0, 0, 0)>
#map1 = affine_map<(d0, d1) -> (0, 0)>
module attributes {stable_mosaic.version = 14 : i64} {
  func.func @_sc_deg(%arg0: i32, %arg1: i32, %arg2: memref<32x100x100xi32, #tpu.memory_space<hbm>>, %arg3: memref<100x16xf32, #tpu.memory_space<hbm>>, %arg4: memref<128x16xf32, #tpu.memory_space<hbm>>, %arg5: memref<2x10240x16xf32, #tpu.memory_space<hbm>>, %arg6: memref<100x100xi32, #tpu.memory_space<vmem>>, %arg7: memref<100x16xf32, #tpu.memory_space<vmem>>, %arg8: memref<128x16xf32, #tpu.memory_space<vmem>>, %arg9: memref<10240x16xf32, #tpu.memory_space<vmem_shared>>) attributes {dimension_semantics = [#tpu.dimension_semantics<core_parallel>, #tpu.dimension_semantics<subcore_parallel>], iteration_bounds = array<i64: 2, 16>, scalar_prefetch = 0 : i64, scratch_operands = 4 : i64, tpu.core_type = #tpu.core_type<sc_vector_subcore>, window_params = [{transform_indices = #map}, {transform_indices = #map1}, {transform_indices = #map1}, {transform_indices = #map}]} {
    %mul3A = arith.constant 2 : i32
    %mul3A_0 = arith.muli %arg1, %mul3A : i32
    %add3A = arith.addi %mul3A_0, %arg0 : i32
    "tpu.region"() ({
      %run_scoped3A = tpu.sem_alloc : memref<!tpu.dma_semaphore, #tpu.memory_space<semaphore_mem>>
      %dma_start3A = arith.constant 0 : i32
      %dma_start3A_29 = arith.constant 0 : i32
      %dma_start3A_30 = tpu.memref_slice %arg2[%add3A, %dma_start3A, %dma_start3A_29] : memref<32x100x100xi32, #tpu.memory_space<hbm>> -> memref<1x100x100xi32, #tpu.memory_space<hbm>>
      %dma_start3A_31 = tpu.memref_squeeze %dma_start3A_30 : memref<1x100x100xi32, #tpu.memory_space<hbm>> -> memref<100x100xi32, #tpu.memory_space<hbm>>
      %dma_start3A_32 = arith.constant 0 : i32
      %dma_start3A_33 = arith.constant 0 : i32
      %dma_start3A_34 = tpu.memref_slice %arg2[%add3A, %dma_start3A_32, %dma_start3A_33] : memref<32x100x100xi32, #tpu.memory_space<hbm>> -> memref<1x100x100xi32, #tpu.memory_space<hbm>>
      %dma_start3A_35 = tpu.memref_squeeze %dma_start3A_34 : memref<1x100x100xi32, #tpu.memory_space<hbm>> -> memref<100x100xi32, #tpu.memory_space<hbm>>
      tpu.enqueue_dma source(%dma_start3A_35 : memref<100x100xi32, #tpu.memory_space<hbm>>) target(%arg6 : memref<100x100xi32, #tpu.memory_space<vmem>>) target_semaphore(%run_scoped3A : memref<!tpu.dma_semaphore, #tpu.memory_space<semaphore_mem>>)
      %dma_wait3A = arith.constant 0 : i32
      %dma_wait3A_36 = arith.constant 0 : i32
      %dma_wait3A_37 = tpu.memref_slice %arg2[%add3A, %dma_wait3A, %dma_wait3A_36] : memref<32x100x100xi32, #tpu.memory_space<hbm>> -> memref<1x100x100xi32, #tpu.memory_space<hbm>>
      %dma_wait3A_38 = tpu.memref_squeeze %dma_wait3A_37 : memref<1x100x100xi32, #tpu.memory_space<hbm>> -> memref<100x100xi32, #tpu.memory_space<hbm>>
      %dma_wait3A_39 = arith.constant 0 : i32
      %dma_wait3A_40 = arith.constant 0 : i32
      %dma_wait3A_41 = tpu.memref_slice %arg2[%add3A, %dma_wait3A_39, %dma_wait3A_40] : memref<32x100x100xi32, #tpu.memory_space<hbm>> -> memref<1x100x100xi32, #tpu.memory_space<hbm>>
      %dma_wait3A_42 = tpu.memref_squeeze %dma_wait3A_41 : memref<1x100x100xi32, #tpu.memory_space<hbm>> -> memref<100x100xi32, #tpu.memory_space<hbm>>
      tpu.wait_dma2 semaphore(%run_scoped3A : memref<!tpu.dma_semaphore, #tpu.memory_space<semaphore_mem>>) src(%dma_wait3A_42 : memref<100x100xi32, #tpu.memory_space<hbm>>) dst(%arg6 : memref<100x100xi32, #tpu.memory_space<vmem>>)
      tpu.yield
    }) : () -> ()
    "tpu.region"() ({
      %run_scoped3A = tpu.sem_alloc : memref<!tpu.dma_semaphore, #tpu.memory_space<semaphore_mem>>
      tpu.enqueue_dma source(%arg3 : memref<100x16xf32, #tpu.memory_space<hbm>>) target(%arg7 : memref<100x16xf32, #tpu.memory_space<vmem>>) target_semaphore(%run_scoped3A : memref<!tpu.dma_semaphore, #tpu.memory_space<semaphore_mem>>)
      tpu.wait_dma2 semaphore(%run_scoped3A : memref<!tpu.dma_semaphore, #tpu.memory_space<semaphore_mem>>) src(%arg3 : memref<100x16xf32, #tpu.memory_space<hbm>>) dst(%arg7 : memref<100x16xf32, #tpu.memory_space<vmem>>)
      tpu.yield
    }) : () -> ()
    "tpu.region"() ({
      %run_scoped3A = tpu.sem_alloc : memref<!tpu.dma_semaphore, #tpu.memory_space<semaphore_mem>>
      tpu.enqueue_dma source(%arg4 : memref<128x16xf32, #tpu.memory_space<hbm>>) target(%arg8 : memref<128x16xf32, #tpu.memory_space<vmem>>) target_semaphore(%run_scoped3A : memref<!tpu.dma_semaphore, #tpu.memory_space<semaphore_mem>>)
      tpu.wait_dma2 semaphore(%run_scoped3A : memref<!tpu.dma_semaphore, #tpu.memory_space<semaphore_mem>>) src(%arg4 : memref<128x16xf32, #tpu.memory_space<hbm>>) dst(%arg8 : memref<128x16xf32, #tpu.memory_space<vmem>>)
      tpu.yield
    }) : () -> ()
    %mul3A_1 = arith.constant 640 : i32
    %mul3A_2 = arith.muli %arg1, %mul3A_1 : i32
    %add3A_3 = arith.constant 0 : i32
    %add3A_4 = arith.addi %mul3A_2, %add3A_3 : i32
    "tpu.region"() ({
      %run_scoped3A = tpu.sem_alloc : memref<!tpu.dma_semaphore, #tpu.memory_space<semaphore_mem>>
      %dma_start3A = arith.constant 0 : i32
      %dma_start3A_29 = tpu.memref_slice %arg9[%add3A_4, %dma_start3A] : memref<10240x16xf32, #tpu.memory_space<vmem_shared>> -> memref<128x16xf32, #tpu.memory_space<vmem_shared>>
      %dma_start3A_30 = arith.constant 0 : i32
      %dma_start3A_31 = tpu.memref_slice %arg9[%add3A_4, %dma_start3A_30] : memref<10240x16xf32, #tpu.memory_space<vmem_shared>> -> memref<128x16xf32, #tpu.memory_space<vmem_shared>>
      tpu.enqueue_dma source(%arg8 : memref<128x16xf32, #tpu.memory_space<vmem>>) target(%dma_start3A_31 : memref<128x16xf32, #tpu.memory_space<vmem_shared>>) target_semaphore(%run_scoped3A : memref<!tpu.dma_semaphore, #tpu.memory_space<semaphore_mem>>)
      %dma_wait3A = arith.constant 0 : i32
      %dma_wait3A_32 = tpu.memref_slice %arg9[%add3A_4, %dma_wait3A] : memref<10240x16xf32, #tpu.memory_space<vmem_shared>> -> memref<128x16xf32, #tpu.memory_space<vmem_shared>>
      %dma_wait3A_33 = arith.constant 0 : i32
      %dma_wait3A_34 = tpu.memref_slice %arg9[%add3A_4, %dma_wait3A_33] : memref<10240x16xf32, #tpu.memory_space<vmem_shared>> -> memref<128x16xf32, #tpu.memory_space<vmem_shared>>
      tpu.wait_dma2 semaphore(%run_scoped3A : memref<!tpu.dma_semaphore, #tpu.memory_space<semaphore_mem>>) src(%arg8 : memref<128x16xf32, #tpu.memory_space<vmem>>) dst(%dma_wait3A_34 : memref<128x16xf32, #tpu.memory_space<vmem_shared>>)
      tpu.yield
    }) : () -> ()
    %mul3A_5 = arith.constant 640 : i32
    %mul3A_6 = arith.muli %arg1, %mul3A_5 : i32
    %add3A_7 = arith.constant 128 : i32
    %add3A_8 = arith.addi %mul3A_6, %add3A_7 : i32
    "tpu.region"() ({
      %run_scoped3A = tpu.sem_alloc : memref<!tpu.dma_semaphore, #tpu.memory_space<semaphore_mem>>
      %dma_start3A = arith.constant 0 : i32
      %dma_start3A_29 = tpu.memref_slice %arg9[%add3A_8, %dma_start3A] : memref<10240x16xf32, #tpu.memory_space<vmem_shared>> -> memref<128x16xf32, #tpu.memory_space<vmem_shared>>
      %dma_start3A_30 = arith.constant 0 : i32
      %dma_start3A_31 = tpu.memref_slice %arg9[%add3A_8, %dma_start3A_30] : memref<10240x16xf32, #tpu.memory_space<vmem_shared>> -> memref<128x16xf32, #tpu.memory_space<vmem_shared>>
      tpu.enqueue_dma source(%arg8 : memref<128x16xf32, #tpu.memory_space<vmem>>) target(%dma_start3A_31 : memref<128x16xf32, #tpu.memory_space<vmem_shared>>) target_semaphore(%run_scoped3A : memref<!tpu.dma_semaphore, #tpu.memory_space<semaphore_mem>>)
      %dma_wait3A = arith.constant 0 : i32
      %dma_wait3A_32 = tpu.memref_slice %arg9[%add3A_8, %dma_wait3A] : memref<10240x16xf32, #tpu.memory_space<vmem_shared>> -> memref<128x16xf32, #tpu.memory_space<vmem_shared>>
      %dma_wait3A_33 = arith.constant 0 : i32
      %dma_wait3A_34 = tpu.memref_slice %arg9[%add3A_8, %dma_wait3A_33] : memref<10240x16xf32, #tpu.memory_space<vmem_shared>> -> memref<128x16xf32, #tpu.memory_space<vmem_shared>>
      tpu.wait_dma2 semaphore(%run_scoped3A : memref<!tpu.dma_semaphore, #tpu.memory_space<semaphore_mem>>) src(%arg8 : memref<128x16xf32, #tpu.memory_space<vmem>>) dst(%dma_wait3A_34 : memref<128x16xf32, #tpu.memory_space<vmem_shared>>)
      tpu.yield
    }) : () -> ()
    %mul3A_9 = arith.constant 640 : i32
    %mul3A_10 = arith.muli %arg1, %mul3A_9 : i32
    %add3A_11 = arith.constant 256 : i32
    %add3A_12 = arith.addi %mul3A_10, %add3A_11 : i32
    "tpu.region"() ({
      %run_scoped3A = tpu.sem_alloc : memref<!tpu.dma_semaphore, #tpu.memory_space<semaphore_mem>>
      %dma_start3A = arith.constant 0 : i32
      %dma_start3A_29 = tpu.memref_slice %arg9[%add3A_12, %dma_start3A] : memref<10240x16xf32, #tpu.memory_space<vmem_shared>> -> memref<128x16xf32, #tpu.memory_space<vmem_shared>>
      %dma_start3A_30 = arith.constant 0 : i32
      %dma_start3A_31 = tpu.memref_slice %arg9[%add3A_12, %dma_start3A_30] : memref<10240x16xf32, #tpu.memory_space<vmem_shared>> -> memref<128x16xf32, #tpu.memory_space<vmem_shared>>
      tpu.enqueue_dma source(%arg8 : memref<128x16xf32, #tpu.memory_space<vmem>>) target(%dma_start3A_31 : memref<128x16xf32, #tpu.memory_space<vmem_shared>>) target_semaphore(%run_scoped3A : memref<!tpu.dma_semaphore, #tpu.memory_space<semaphore_mem>>)
      %dma_wait3A = arith.constant 0 : i32
      %dma_wait3A_32 = tpu.memref_slice %arg9[%add3A_12, %dma_wait3A] : memref<10240x16xf32, #tpu.memory_space<vmem_shared>> -> memref<128x16xf32, #tpu.memory_space<vmem_shared>>
      %dma_wait3A_33 = arith.constant 0 : i32
      %dma_wait3A_34 = tpu.memref_slice %arg9[%add3A_12, %dma_wait3A_33] : memref<10240x16xf32, #tpu.memory_space<vmem_shared>> -> memref<128x16xf32, #tpu.memory_space<vmem_shared>>
      tpu.wait_dma2 semaphore(%run_scoped3A : memref<!tpu.dma_semaphore, #tpu.memory_space<semaphore_mem>>) src(%arg8 : memref<128x16xf32, #tpu.memory_space<vmem>>) dst(%dma_wait3A_34 : memref<128x16xf32, #tpu.memory_space<vmem_shared>>)
      tpu.yield
    }) : () -> ()
    %mul3A_13 = arith.constant 640 : i32
    %mul3A_14 = arith.muli %arg1, %mul3A_13 : i32
    %add3A_15 = arith.constant 384 : i32
    %add3A_16 = arith.addi %mul3A_14, %add3A_15 : i32
    "tpu.region"() ({
      %run_scoped3A = tpu.sem_alloc : memref<!tpu.dma_semaphore, #tpu.memory_space<semaphore_mem>>
      %dma_start3A = arith.constant 0 : i32
      %dma_start3A_29 = tpu.memref_slice %arg9[%add3A_16, %dma_start3A] : memref<10240x16xf32, #tpu.memory_space<vmem_shared>> -> memref<128x16xf32, #tpu.memory_space<vmem_shared>>
      %dma_start3A_30 = arith.constant 0 : i32
      %dma_start3A_31 = tpu.memref_slice %arg9[%add3A_16, %dma_start3A_30] : memref<10240x16xf32, #tpu.memory_space<vmem_shared>> -> memref<128x16xf32, #tpu.memory_space<vmem_shared>>
      tpu.enqueue_dma source(%arg8 : memref<128x16xf32, #tpu.memory_space<vmem>>) target(%dma_start3A_31 : memref<128x16xf32, #tpu.memory_space<vmem_shared>>) target_semaphore(%run_scoped3A : memref<!tpu.dma_semaphore, #tpu.memory_space<semaphore_mem>>)
      %dma_wait3A = arith.constant 0 : i32
      %dma_wait3A_32 = tpu.memref_slice %arg9[%add3A_16, %dma_wait3A] : memref<10240x16xf32, #tpu.memory_space<vmem_shared>> -> memref<128x16xf32, #tpu.memory_space<vmem_shared>>
      %dma_wait3A_33 = arith.constant 0 : i32
      %dma_wait3A_34 = tpu.memref_slice %arg9[%add3A_16, %dma_wait3A_33] : memref<10240x16xf32, #tpu.memory_space<vmem_shared>> -> memref<128x16xf32, #tpu.memory_space<vmem_shared>>
      tpu.wait_dma2 semaphore(%run_scoped3A : memref<!tpu.dma_semaphore, #tpu.memory_space<semaphore_mem>>) src(%arg8 : memref<128x16xf32, #tpu.memory_space<vmem>>) dst(%dma_wait3A_34 : memref<128x16xf32, #tpu.memory_space<vmem_shared>>)
      tpu.yield
    }) : () -> ()
    %mul3A_17 = arith.constant 640 : i32
    %mul3A_18 = arith.muli %arg1, %mul3A_17 : i32
    %add3A_19 = arith.constant 512 : i32
    %add3A_20 = arith.addi %mul3A_18, %add3A_19 : i32
    "tpu.region"() ({
      %run_scoped3A = tpu.sem_alloc : memref<!tpu.dma_semaphore, #tpu.memory_space<semaphore_mem>>
      %dma_start3A = arith.constant 0 : i32
      %dma_start3A_29 = tpu.memref_slice %arg9[%add3A_20, %dma_start3A] : memref<10240x16xf32, #tpu.memory_space<vmem_shared>> -> memref<128x16xf32, #tpu.memory_space<vmem_shared>>
      %dma_start3A_30 = arith.constant 0 : i32
      %dma_start3A_31 = tpu.memref_slice %arg9[%add3A_20, %dma_start3A_30] : memref<10240x16xf32, #tpu.memory_space<vmem_shared>> -> memref<128x16xf32, #tpu.memory_space<vmem_shared>>
      tpu.enqueue_dma source(%arg8 : memref<128x16xf32, #tpu.memory_space<vmem>>) target(%dma_start3A_31 : memref<128x16xf32, #tpu.memory_space<vmem_shared>>) target_semaphore(%run_scoped3A : memref<!tpu.dma_semaphore, #tpu.memory_space<semaphore_mem>>)
      %dma_wait3A = arith.constant 0 : i32
      %dma_wait3A_32 = tpu.memref_slice %arg9[%add3A_20, %dma_wait3A] : memref<10240x16xf32, #tpu.memory_space<vmem_shared>> -> memref<128x16xf32, #tpu.memory_space<vmem_shared>>
      %dma_wait3A_33 = arith.constant 0 : i32
      %dma_wait3A_34 = tpu.memref_slice %arg9[%add3A_20, %dma_wait3A_33] : memref<10240x16xf32, #tpu.memory_space<vmem_shared>> -> memref<128x16xf32, #tpu.memory_space<vmem_shared>>
      tpu.wait_dma2 semaphore(%run_scoped3A : memref<!tpu.dma_semaphore, #tpu.memory_space<semaphore_mem>>) src(%arg8 : memref<128x16xf32, #tpu.memory_space<vmem>>) dst(%dma_wait3A_34 : memref<128x16xf32, #tpu.memory_space<vmem_shared>>)
      tpu.yield
    }) : () -> ()
    %barrier3A = arith.constant 0 : index
    tpu.barrier barrier_id(%barrier3A)
    %scan3A = arith.constant 0 : i32
    %scan3A_21 = arith.constant 0 : i32
    %scan3A_22 = arith.constant 100 : i32
    %scan3A_23 = arith.addi %scan3A_21, %scan3A_22 : i32
    %scan3A_24 = arith.constant 1 : i32
    scf.for %scan3A_29 = %scan3A_21 to %scan3A_23 step %scan3A_24  : i32 {
      "tpu.region"() ({
        %run_scoped3A = tpu.sem_alloc : memref<!tpu.dma_semaphore, #tpu.memory_space<semaphore_mem>>
        %dma_start3A = arith.constant 0 : i32
        %dma_start3A_30 = tpu.memref_slice %arg6[%scan3A_29, %dma_start3A] : memref<100x100xi32, #tpu.memory_space<vmem>> -> memref<1x100xi32, #tpu.memory_space<vmem>>
        %dma_start3A_31 = tpu.memref_squeeze %dma_start3A_30 : memref<1x100xi32, #tpu.memory_space<vmem>> -> memref<100xi32, #tpu.memory_space<vmem>>
        %dma_start3A_32 = arith.constant 0 : i32
        %dma_start3A_33 = arith.constant 0 : i32
        %dma_start3A_34 = tpu.memref_slice %arg9[%dma_start3A_32, %dma_start3A_33] : memref<10240x16xf32, #tpu.memory_space<vmem_shared>> -> memref<10240x16xf32, #tpu.memory_space<vmem_shared>>
        tpu.enqueue_indirect_dma source(%arg7 : memref<100x16xf32, #tpu.memory_space<vmem>>) target(%dma_start3A_34 : memref<10240x16xf32, #tpu.memory_space<vmem_shared>>) offsets(%dma_start3A_31 : memref<100xi32, #tpu.memory_space<vmem>>) semaphore(%run_scoped3A : memref<!tpu.dma_semaphore, #tpu.memory_space<semaphore_mem>>) {add = true}
        %dma_wait3A = arith.constant 0 : i32
        %dma_wait3A_35 = tpu.memref_slice %arg6[%scan3A_29, %dma_wait3A] : memref<100x100xi32, #tpu.memory_space<vmem>> -> memref<1x100xi32, #tpu.memory_space<vmem>>
        %dma_wait3A_36 = tpu.memref_squeeze %dma_wait3A_35 : memref<1x100xi32, #tpu.memory_space<vmem>> -> memref<100xi32, #tpu.memory_space<vmem>>
        %dma_wait3A_37 = arith.constant 0 : i32
        %dma_wait3A_38 = arith.constant 0 : i32
        %dma_wait3A_39 = tpu.memref_slice %arg9[%dma_wait3A_37, %dma_wait3A_38] : memref<10240x16xf32, #tpu.memory_space<vmem_shared>> -> memref<10240x16xf32, #tpu.memory_space<vmem_shared>>
        tpu.wait_indirect_dma semaphore(%run_scoped3A : memref<!tpu.dma_semaphore, #tpu.memory_space<semaphore_mem>>) src(%arg7 : memref<100x16xf32, #tpu.memory_space<vmem>>) dst(%dma_wait3A_39 : memref<10240x16xf32, #tpu.memory_space<vmem_shared>>)
        tpu.yield
      }) : () -> ()
    }
    %scan3A_25 = arith.constant 100 : i32
    %barrier3A_26 = arith.constant 0 : index
    tpu.barrier barrier_id(%barrier3A_26)
    %mul3A_27 = arith.constant 640 : i32
    %mul3A_28 = arith.muli %arg1, %mul3A_27 : i32
    "tpu.region"() ({
      %run_scoped3A = tpu.sem_alloc : memref<!tpu.dma_semaphore, #tpu.memory_space<semaphore_mem>>
      %dma_start3A = arith.constant 0 : i32
      %dma_start3A_29 = tpu.memref_slice %arg5[%arg0, %mul3A_28, %dma_start3A] : memref<2x10240x16xf32, #tpu.memory_space<hbm>> -> memref<1x640x16xf32, #tpu.memory_space<hbm>>
      %dma_start3A_30 = tpu.memref_squeeze %dma_start3A_29 : memref<1x640x16xf32, #tpu.memory_space<hbm>> -> memref<640x16xf32, #tpu.memory_space<hbm>>
      %dma_start3A_31 = arith.constant 0 : i32
      %dma_start3A_32 = tpu.memref_slice %arg9[%mul3A_28, %dma_start3A_31] : memref<10240x16xf32, #tpu.memory_space<vmem_shared>> -> memref<640x16xf32, #tpu.memory_space<vmem_shared>>
      tpu.enqueue_dma source(%dma_start3A_32 : memref<640x16xf32, #tpu.memory_space<vmem_shared>>) target(%dma_start3A_30 : memref<640x16xf32, #tpu.memory_space<hbm>>) target_semaphore(%run_scoped3A : memref<!tpu.dma_semaphore, #tpu.memory_space<semaphore_mem>>)
      %dma_wait3A = arith.constant 0 : i32
      %dma_wait3A_33 = tpu.memref_slice %arg5[%arg0, %mul3A_28, %dma_wait3A] : memref<2x10240x16xf32, #tpu.memory_space<hbm>> -> memref<1x640x16xf32, #tpu.memory_space<hbm>>
      %dma_wait3A_34 = tpu.memref_squeeze %dma_wait3A_33 : memref<1x640x16xf32, #tpu.memory_space<hbm>> -> memref<640x16xf32, #tpu.memory_space<hbm>>
      %dma_wait3A_35 = arith.constant 0 : i32
      %dma_wait3A_36 = tpu.memref_slice %arg9[%mul3A_28, %dma_wait3A_35] : memref<10240x16xf32, #tpu.memory_space<vmem_shared>> -> memref<640x16xf32, #tpu.memory_space<vmem_shared>>
      tpu.wait_dma2 semaphore(%run_scoped3A : memref<!tpu.dma_semaphore, #tpu.memory_space<semaphore_mem>>) src(%dma_wait3A_36 : memref<640x16xf32, #tpu.memory_space<vmem_shared>>) dst(%dma_wait3A_34 : memref<640x16xf32, #tpu.memory_space<hbm>>)
      tpu.yield
    }) : () -> ()
    return
  }
}

#map = affine_map<(d0, d1) -> (0, 0, 0)>
#map1 = affine_map<(d0, d1) -> (0, 0)>
module attributes {stable_mosaic.version = 14 : i64} {
  func.func @_sc_edge(%arg0: i32, %arg1: i32, %arg2: memref<16x200x100xi32, #tpu.memory_space<hbm>>, %arg3: memref<16x200x100xi32, #tpu.memory_space<hbm>>, %arg4: memref<2x10000x64xf32, #tpu.memory_space<hbm>>, %arg5: memref<128x64xf32, #tpu.memory_space<hbm>>, %arg6: memref<2x10240x64xf32, #tpu.memory_space<hbm>>, %arg7: memref<200x100xi32, #tpu.memory_space<vmem>>, %arg8: memref<200x100xi32, #tpu.memory_space<vmem>>, %arg9: memref<100x64xf32, #tpu.memory_space<vmem>>, %arg10: memref<100x64xf32, #tpu.memory_space<vmem>>, %arg11: memref<100x64xf32, #tpu.memory_space<vmem>>, %arg12: memref<100x64xf32, #tpu.memory_space<vmem>>, %arg13: memref<100x64xf32, #tpu.memory_space<vmem>>, %arg14: memref<100x64xf32, #tpu.memory_space<vmem>>, %arg15: memref<128x64xf32, #tpu.memory_space<vmem>>, %arg16: memref<10240x64xf32, #tpu.memory_space<vmem_shared>>, %arg17: memref<!tpu.dma_semaphore, #tpu.memory_space<semaphore_mem>>, %arg18: memref<!tpu.dma_semaphore, #tpu.memory_space<semaphore_mem>>, %arg19: memref<!tpu.dma_semaphore, #tpu.memory_space<semaphore_mem>>, %arg20: memref<!tpu.dma_semaphore, #tpu.memory_space<semaphore_mem>>, %arg21: memref<!tpu.dma_semaphore, #tpu.memory_space<semaphore_mem>>, %arg22: memref<!tpu.dma_semaphore, #tpu.memory_space<semaphore_mem>>, %arg23: memref<!tpu.dma_semaphore, #tpu.memory_space<semaphore_mem>>, %arg24: memref<!tpu.dma_semaphore, #tpu.memory_space<semaphore_mem>>, %arg25: memref<!tpu.dma_semaphore, #tpu.memory_space<semaphore_mem>>, %arg26: memref<!tpu.dma_semaphore, #tpu.memory_space<semaphore_mem>>, %arg27: memref<!tpu.dma_semaphore, #tpu.memory_space<semaphore_mem>>, %arg28: memref<!tpu.dma_semaphore, #tpu.memory_space<semaphore_mem>>) attributes {dimension_semantics = [#tpu.dimension_semantics<core_parallel>, #tpu.dimension_semantics<subcore_parallel>], iteration_bounds = array<i64: 2, 16>, scalar_prefetch = 0 : i64, scratch_operands = 22 : i64, tpu.core_type = #tpu.core_type<sc_vector_subcore>, window_params = [{transform_indices = #map}, {transform_indices = #map}, {transform_indices = #map}, {transform_indices = #map1}, {transform_indices = #map}]} {
    "tpu.region"() ({
      %run_scoped3A = tpu.sem_alloc : memref<!tpu.dma_semaphore, #tpu.memory_space<semaphore_mem>>
      %dma_start3A_312 = arith.constant 0 : i32
      %dma_start3A_313 = arith.constant 0 : i32
      %dma_start3A_314 = tpu.memref_slice %arg2[%arg1, %dma_start3A_312, %dma_start3A_313] : memref<16x200x100xi32, #tpu.memory_space<hbm>> -> memref<1x200x100xi32, #tpu.memory_space<hbm>>
      %dma_start3A_315 = tpu.memref_squeeze %dma_start3A_314 : memref<1x200x100xi32, #tpu.memory_space<hbm>> -> memref<200x100xi32, #tpu.memory_space<hbm>>
      %dma_start3A_316 = arith.constant 0 : i32
      %dma_start3A_317 = arith.constant 0 : i32
      %dma_start3A_318 = tpu.memref_slice %arg2[%arg1, %dma_start3A_316, %dma_start3A_317] : memref<16x200x100xi32, #tpu.memory_space<hbm>> -> memref<1x200x100xi32, #tpu.memory_space<hbm>>
      %dma_start3A_319 = tpu.memref_squeeze %dma_start3A_318 : memref<1x200x100xi32, #tpu.memory_space<hbm>> -> memref<200x100xi32, #tpu.memory_space<hbm>>
      tpu.enqueue_dma source(%dma_start3A_319 : memref<200x100xi32, #tpu.memory_space<hbm>>) target(%arg7 : memref<200x100xi32, #tpu.memory_space<vmem>>) target_semaphore(%run_scoped3A : memref<!tpu.dma_semaphore, #tpu.memory_space<semaphore_mem>>)
      %dma_wait3A_320 = arith.constant 0 : i32
      %dma_wait3A_321 = arith.constant 0 : i32
      %dma_wait3A_322 = tpu.memref_slice %arg2[%arg1, %dma_wait3A_320, %dma_wait3A_321] : memref<16x200x100xi32, #tpu.memory_space<hbm>> -> memref<1x200x100xi32, #tpu.memory_space<hbm>>
      %dma_wait3A_323 = tpu.memref_squeeze %dma_wait3A_322 : memref<1x200x100xi32, #tpu.memory_space<hbm>> -> memref<200x100xi32, #tpu.memory_space<hbm>>
      %dma_wait3A_324 = arith.constant 0 : i32
      %dma_wait3A_325 = arith.constant 0 : i32
      %dma_wait3A_326 = tpu.memref_slice %arg2[%arg1, %dma_wait3A_324, %dma_wait3A_325] : memref<16x200x100xi32, #tpu.memory_space<hbm>> -> memref<1x200x100xi32, #tpu.memory_space<hbm>>
      %dma_wait3A_327 = tpu.memref_squeeze %dma_wait3A_326 : memref<1x200x100xi32, #tpu.memory_space<hbm>> -> memref<200x100xi32, #tpu.memory_space<hbm>>
      tpu.wait_dma2 semaphore(%run_scoped3A : memref<!tpu.dma_semaphore, #tpu.memory_space<semaphore_mem>>) src(%dma_wait3A_327 : memref<200x100xi32, #tpu.memory_space<hbm>>) dst(%arg7 : memref<200x100xi32, #tpu.memory_space<vmem>>)
      tpu.yield
    }) : () -> ()
    "tpu.region"() ({
      %run_scoped3A = tpu.sem_alloc : memref<!tpu.dma_semaphore, #tpu.memory_space<semaphore_mem>>
      %dma_start3A_312 = arith.constant 0 : i32
      %dma_start3A_313 = arith.constant 0 : i32
      %dma_start3A_314 = tpu.memref_slice %arg3[%arg1, %dma_start3A_312, %dma_start3A_313] : memref<16x200x100xi32, #tpu.memory_space<hbm>> -> memref<1x200x100xi32, #tpu.memory_space<hbm>>
      %dma_start3A_315 = tpu.memref_squeeze %dma_start3A_314 : memref<1x200x100xi32, #tpu.memory_space<hbm>> -> memref<200x100xi32, #tpu.memory_space<hbm>>
      %dma_start3A_316 = arith.constant 0 : i32
      %dma_start3A_317 = arith.constant 0 : i32
      %dma_start3A_318 = tpu.memref_slice %arg3[%arg1, %dma_start3A_316, %dma_start3A_317] : memref<16x200x100xi32, #tpu.memory_space<hbm>> -> memref<1x200x100xi32, #tpu.memory_space<hbm>>
      %dma_start3A_319 = tpu.memref_squeeze %dma_start3A_318 : memref<1x200x100xi32, #tpu.memory_space<hbm>> -> memref<200x100xi32, #tpu.memory_space<hbm>>
      tpu.enqueue_dma source(%dma_start3A_319 : memref<200x100xi32, #tpu.memory_space<hbm>>) target(%arg8 : memref<200x100xi32, #tpu.memory_space<vmem>>) target_semaphore(%run_scoped3A : memref<!tpu.dma_semaphore, #tpu.memory_space<semaphore_mem>>)
      %dma_wait3A_320 = arith.constant 0 : i32
      %dma_wait3A_321 = arith.constant 0 : i32
      %dma_wait3A_322 = tpu.memref_slice %arg3[%arg1, %dma_wait3A_320, %dma_wait3A_321] : memref<16x200x100xi32, #tpu.memory_space<hbm>> -> memref<1x200x100xi32, #tpu.memory_space<hbm>>
      %dma_wait3A_323 = tpu.memref_squeeze %dma_wait3A_322 : memref<1x200x100xi32, #tpu.memory_space<hbm>> -> memref<200x100xi32, #tpu.memory_space<hbm>>
      %dma_wait3A_324 = arith.constant 0 : i32
      %dma_wait3A_325 = arith.constant 0 : i32
      %dma_wait3A_326 = tpu.memref_slice %arg3[%arg1, %dma_wait3A_324, %dma_wait3A_325] : memref<16x200x100xi32, #tpu.memory_space<hbm>> -> memref<1x200x100xi32, #tpu.memory_space<hbm>>
      %dma_wait3A_327 = tpu.memref_squeeze %dma_wait3A_326 : memref<1x200x100xi32, #tpu.memory_space<hbm>> -> memref<200x100xi32, #tpu.memory_space<hbm>>
      tpu.wait_dma2 semaphore(%run_scoped3A : memref<!tpu.dma_semaphore, #tpu.memory_space<semaphore_mem>>) src(%dma_wait3A_327 : memref<200x100xi32, #tpu.memory_space<hbm>>) dst(%arg8 : memref<200x100xi32, #tpu.memory_space<vmem>>)
      tpu.yield
    }) : () -> ()
    "tpu.region"() ({
      %run_scoped3A = tpu.sem_alloc : memref<!tpu.dma_semaphore, #tpu.memory_space<semaphore_mem>>
      tpu.enqueue_dma source(%arg5 : memref<128x64xf32, #tpu.memory_space<hbm>>) target(%arg15 : memref<128x64xf32, #tpu.memory_space<vmem>>) target_semaphore(%run_scoped3A : memref<!tpu.dma_semaphore, #tpu.memory_space<semaphore_mem>>)
      tpu.wait_dma2 semaphore(%run_scoped3A : memref<!tpu.dma_semaphore, #tpu.memory_space<semaphore_mem>>) src(%arg5 : memref<128x64xf32, #tpu.memory_space<hbm>>) dst(%arg15 : memref<128x64xf32, #tpu.memory_space<vmem>>)
      tpu.yield
    }) : () -> ()
    %mul3A = arith.constant 640 : i32
    %mul3A_0 = arith.muli %arg1, %mul3A : i32
    %add3A = arith.constant 0 : i32
    %add3A_1 = arith.addi %mul3A_0, %add3A : i32
    "tpu.region"() ({
      %run_scoped3A = tpu.sem_alloc : memref<!tpu.dma_semaphore, #tpu.memory_space<semaphore_mem>>
      %dma_start3A_312 = arith.constant 0 : i32
      %dma_start3A_313 = tpu.memref_slice %arg16[%add3A_1, %dma_start3A_312] : memref<10240x64xf32, #tpu.memory_space<vmem_shared>> -> memref<128x64xf32, #tpu.memory_space<vmem_shared>>
      %dma_start3A_314 = arith.constant 0 : i32
      %dma_start3A_315 = tpu.memref_slice %arg16[%add3A_1, %dma_start3A_314] : memref<10240x64xf32, #tpu.memory_space<vmem_shared>> -> memref<128x64xf32, #tpu.memory_space<vmem_shared>>
      tpu.enqueue_dma source(%arg15 : memref<128x64xf32, #tpu.memory_space<vmem>>) target(%dma_start3A_315 : memref<128x64xf32, #tpu.memory_space<vmem_shared>>) target_semaphore(%run_scoped3A : memref<!tpu.dma_semaphore, #tpu.memory_space<semaphore_mem>>)
      %dma_wait3A_316 = arith.constant 0 : i32
      %dma_wait3A_317 = tpu.memref_slice %arg16[%add3A_1, %dma_wait3A_316] : memref<10240x64xf32, #tpu.memory_space<vmem_shared>> -> memref<128x64xf32, #tpu.memory_space<vmem_shared>>
      %dma_wait3A_318 = arith.constant 0 : i32
      %dma_wait3A_319 = tpu.memref_slice %arg16[%add3A_1, %dma_wait3A_318] : memref<10240x64xf32, #tpu.memory_space<vmem_shared>> -> memref<128x64xf32, #tpu.memory_space<vmem_shared>>
      tpu.wait_dma2 semaphore(%run_scoped3A : memref<!tpu.dma_semaphore, #tpu.memory_space<semaphore_mem>>) src(%arg15 : memref<128x64xf32, #tpu.memory_space<vmem>>) dst(%dma_wait3A_319 : memref<128x64xf32, #tpu.memory_space<vmem_shared>>)
      tpu.yield
    }) : () -> ()
    %mul3A_2 = arith.constant 640 : i32
    %mul3A_3 = arith.muli %arg1, %mul3A_2 : i32
    %add3A_4 = arith.constant 128 : i32
    %add3A_5 = arith.addi %mul3A_3, %add3A_4 : i32
    "tpu.region"() ({
      %run_scoped3A = tpu.sem_alloc : memref<!tpu.dma_semaphore, #tpu.memory_space<semaphore_mem>>
      %dma_start3A_312 = arith.constant 0 : i32
      %dma_start3A_313 = tpu.memref_slice %arg16[%add3A_5, %dma_start3A_312] : memref<10240x64xf32, #tpu.memory_space<vmem_shared>> -> memref<128x64xf32, #tpu.memory_space<vmem_shared>>
      %dma_start3A_314 = arith.constant 0 : i32
      %dma_start3A_315 = tpu.memref_slice %arg16[%add3A_5, %dma_start3A_314] : memref<10240x64xf32, #tpu.memory_space<vmem_shared>> -> memref<128x64xf32, #tpu.memory_space<vmem_shared>>
      tpu.enqueue_dma source(%arg15 : memref<128x64xf32, #tpu.memory_space<vmem>>) target(%dma_start3A_315 : memref<128x64xf32, #tpu.memory_space<vmem_shared>>) target_semaphore(%run_scoped3A : memref<!tpu.dma_semaphore, #tpu.memory_space<semaphore_mem>>)
      %dma_wait3A_316 = arith.constant 0 : i32
      %dma_wait3A_317 = tpu.memref_slice %arg16[%add3A_5, %dma_wait3A_316] : memref<10240x64xf32, #tpu.memory_space<vmem_shared>> -> memref<128x64xf32, #tpu.memory_space<vmem_shared>>
      %dma_wait3A_318 = arith.constant 0 : i32
      %dma_wait3A_319 = tpu.memref_slice %arg16[%add3A_5, %dma_wait3A_318] : memref<10240x64xf32, #tpu.memory_space<vmem_shared>> -> memref<128x64xf32, #tpu.memory_space<vmem_shared>>
      tpu.wait_dma2 semaphore(%run_scoped3A : memref<!tpu.dma_semaphore, #tpu.memory_space<semaphore_mem>>) src(%arg15 : memref<128x64xf32, #tpu.memory_space<vmem>>) dst(%dma_wait3A_319 : memref<128x64xf32, #tpu.memory_space<vmem_shared>>)
      tpu.yield
    }) : () -> ()
    %mul3A_6 = arith.constant 640 : i32
    %mul3A_7 = arith.muli %arg1, %mul3A_6 : i32
    %add3A_8 = arith.constant 256 : i32
    %add3A_9 = arith.addi %mul3A_7, %add3A_8 : i32
    "tpu.region"() ({
      %run_scoped3A = tpu.sem_alloc : memref<!tpu.dma_semaphore, #tpu.memory_space<semaphore_mem>>
      %dma_start3A_312 = arith.constant 0 : i32
      %dma_start3A_313 = tpu.memref_slice %arg16[%add3A_9, %dma_start3A_312] : memref<10240x64xf32, #tpu.memory_space<vmem_shared>> -> memref<128x64xf32, #tpu.memory_space<vmem_shared>>
      %dma_start3A_314 = arith.constant 0 : i32
      %dma_start3A_315 = tpu.memref_slice %arg16[%add3A_9, %dma_start3A_314] : memref<10240x64xf32, #tpu.memory_space<vmem_shared>> -> memref<128x64xf32, #tpu.memory_space<vmem_shared>>
      tpu.enqueue_dma source(%arg15 : memref<128x64xf32, #tpu.memory_space<vmem>>) target(%dma_start3A_315 : memref<128x64xf32, #tpu.memory_space<vmem_shared>>) target_semaphore(%run_scoped3A : memref<!tpu.dma_semaphore, #tpu.memory_space<semaphore_mem>>)
      %dma_wait3A_316 = arith.constant 0 : i32
      %dma_wait3A_317 = tpu.memref_slice %arg16[%add3A_9, %dma_wait3A_316] : memref<10240x64xf32, #tpu.memory_space<vmem_shared>> -> memref<128x64xf32, #tpu.memory_space<vmem_shared>>
      %dma_wait3A_318 = arith.constant 0 : i32
      %dma_wait3A_319 = tpu.memref_slice %arg16[%add3A_9, %dma_wait3A_318] : memref<10240x64xf32, #tpu.memory_space<vmem_shared>> -> memref<128x64xf32, #tpu.memory_space<vmem_shared>>
      tpu.wait_dma2 semaphore(%run_scoped3A : memref<!tpu.dma_semaphore, #tpu.memory_space<semaphore_mem>>) src(%arg15 : memref<128x64xf32, #tpu.memory_space<vmem>>) dst(%dma_wait3A_319 : memref<128x64xf32, #tpu.memory_space<vmem_shared>>)
      tpu.yield
    }) : () -> ()
    %mul3A_10 = arith.constant 640 : i32
    %mul3A_11 = arith.muli %arg1, %mul3A_10 : i32
    %add3A_12 = arith.constant 384 : i32
    %add3A_13 = arith.addi %mul3A_11, %add3A_12 : i32
    "tpu.region"() ({
      %run_scoped3A = tpu.sem_alloc : memref<!tpu.dma_semaphore, #tpu.memory_space<semaphore_mem>>
      %dma_start3A_312 = arith.constant 0 : i32
      %dma_start3A_313 = tpu.memref_slice %arg16[%add3A_13, %dma_start3A_312] : memref<10240x64xf32, #tpu.memory_space<vmem_shared>> -> memref<128x64xf32, #tpu.memory_space<vmem_shared>>
      %dma_start3A_314 = arith.constant 0 : i32
      %dma_start3A_315 = tpu.memref_slice %arg16[%add3A_13, %dma_start3A_314] : memref<10240x64xf32, #tpu.memory_space<vmem_shared>> -> memref<128x64xf32, #tpu.memory_space<vmem_shared>>
      tpu.enqueue_dma source(%arg15 : memref<128x64xf32, #tpu.memory_space<vmem>>) target(%dma_start3A_315 : memref<128x64xf32, #tpu.memory_space<vmem_shared>>) target_semaphore(%run_scoped3A : memref<!tpu.dma_semaphore, #tpu.memory_space<semaphore_mem>>)
      %dma_wait3A_316 = arith.constant 0 : i32
      %dma_wait3A_317 = tpu.memref_slice %arg16[%add3A_13, %dma_wait3A_316] : memref<10240x64xf32, #tpu.memory_space<vmem_shared>> -> memref<128x64xf32, #tpu.memory_space<vmem_shared>>
      %dma_wait3A_318 = arith.constant 0 : i32
      %dma_wait3A_319 = tpu.memref_slice %arg16[%add3A_13, %dma_wait3A_318] : memref<10240x64xf32, #tpu.memory_space<vmem_shared>> -> memref<128x64xf32, #tpu.memory_space<vmem_shared>>
      tpu.wait_dma2 semaphore(%run_scoped3A : memref<!tpu.dma_semaphore, #tpu.memory_space<semaphore_mem>>) src(%arg15 : memref<128x64xf32, #tpu.memory_space<vmem>>) dst(%dma_wait3A_319 : memref<128x64xf32, #tpu.memory_space<vmem_shared>>)
      tpu.yield
    }) : () -> ()
    %mul3A_14 = arith.constant 640 : i32
    %mul3A_15 = arith.muli %arg1, %mul3A_14 : i32
    %add3A_16 = arith.constant 512 : i32
    %add3A_17 = arith.addi %mul3A_15, %add3A_16 : i32
    "tpu.region"() ({
      %run_scoped3A = tpu.sem_alloc : memref<!tpu.dma_semaphore, #tpu.memory_space<semaphore_mem>>
      %dma_start3A_312 = arith.constant 0 : i32
      %dma_start3A_313 = tpu.memref_slice %arg16[%add3A_17, %dma_start3A_312] : memref<10240x64xf32, #tpu.memory_space<vmem_shared>> -> memref<128x64xf32, #tpu.memory_space<vmem_shared>>
      %dma_start3A_314 = arith.constant 0 : i32
      %dma_start3A_315 = tpu.memref_slice %arg16[%add3A_17, %dma_start3A_314] : memref<10240x64xf32, #tpu.memory_space<vmem_shared>> -> memref<128x64xf32, #tpu.memory_space<vmem_shared>>
      tpu.enqueue_dma source(%arg15 : memref<128x64xf32, #tpu.memory_space<vmem>>) target(%dma_start3A_315 : memref<128x64xf32, #tpu.memory_space<vmem_shared>>) target_semaphore(%run_scoped3A : memref<!tpu.dma_semaphore, #tpu.memory_space<semaphore_mem>>)
      %dma_wait3A_316 = arith.constant 0 : i32
      %dma_wait3A_317 = tpu.memref_slice %arg16[%add3A_17, %dma_wait3A_316] : memref<10240x64xf32, #tpu.memory_space<vmem_shared>> -> memref<128x64xf32, #tpu.memory_space<vmem_shared>>
      %dma_wait3A_318 = arith.constant 0 : i32
      %dma_wait3A_319 = tpu.memref_slice %arg16[%add3A_17, %dma_wait3A_318] : memref<10240x64xf32, #tpu.memory_space<vmem_shared>> -> memref<128x64xf32, #tpu.memory_space<vmem_shared>>
      tpu.wait_dma2 semaphore(%run_scoped3A : memref<!tpu.dma_semaphore, #tpu.memory_space<semaphore_mem>>) src(%arg15 : memref<128x64xf32, #tpu.memory_space<vmem>>) dst(%dma_wait3A_319 : memref<128x64xf32, #tpu.memory_space<vmem_shared>>)
      tpu.yield
    }) : () -> ()
    %barrier3A = arith.constant 0 : index
    tpu.barrier barrier_id(%barrier3A)
    %dma_start3A = arith.constant 0 : i32
    %dma_start3A_18 = arith.constant 0 : i32
    %dma_start3A_19 = tpu.memref_slice %arg7[%dma_start3A, %dma_start3A_18] : memref<200x100xi32, #tpu.memory_space<vmem>> -> memref<1x100xi32, #tpu.memory_space<vmem>>
    %dma_start3A_20 = tpu.memref_squeeze %dma_start3A_19 : memref<1x100xi32, #tpu.memory_space<vmem>> -> memref<100xi32, #tpu.memory_space<vmem>>
    %dma_start3A_21 = arith.constant 0 : i32
    %dma_start3A_22 = arith.constant 0 : i32
    %dma_start3A_23 = tpu.memref_slice %arg4[%arg0, %dma_start3A_21, %dma_start3A_22] : memref<2x10000x64xf32, #tpu.memory_space<hbm>> -> memref<1x10000x64xf32, #tpu.memory_space<hbm>>
    %dma_start3A_24 = tpu.memref_squeeze %dma_start3A_23 : memref<1x10000x64xf32, #tpu.memory_space<hbm>> -> memref<10000x64xf32, #tpu.memory_space<hbm>>
    %dma_start3A_25 = arith.constant 0 : i32
    %dma_start3A_26 = arith.constant 0 : i32
    %dma_start3A_27 = tpu.memref_slice %dma_start3A_24[%dma_start3A_25, %dma_start3A_26] : memref<10000x64xf32, #tpu.memory_space<hbm>> -> memref<10000x64xf32, #tpu.memory_space<hbm>>
    tpu.enqueue_indirect_dma source(%dma_start3A_27 : memref<10000x64xf32, #tpu.memory_space<hbm>>) target(%arg9 : memref<100x64xf32, #tpu.memory_space<vmem>>) offsets(%dma_start3A_20 : memref<100xi32, #tpu.memory_space<vmem>>) semaphore(%arg17 : memref<!tpu.dma_semaphore, #tpu.memory_space<semaphore_mem>>)
    %dma_start3A_28 = arith.constant 1 : i32
    %dma_start3A_29 = arith.constant 0 : i32
    %dma_start3A_30 = tpu.memref_slice %arg7[%dma_start3A_28, %dma_start3A_29] : memref<200x100xi32, #tpu.memory_space<vmem>> -> memref<1x100xi32, #tpu.memory_space<vmem>>
    %dma_start3A_31 = tpu.memref_squeeze %dma_start3A_30 : memref<1x100xi32, #tpu.memory_space<vmem>> -> memref<100xi32, #tpu.memory_space<vmem>>
    %dma_start3A_32 = arith.constant 0 : i32
    %dma_start3A_33 = arith.constant 0 : i32
    %dma_start3A_34 = tpu.memref_slice %arg4[%arg0, %dma_start3A_32, %dma_start3A_33] : memref<2x10000x64xf32, #tpu.memory_space<hbm>> -> memref<1x10000x64xf32, #tpu.memory_space<hbm>>
    %dma_start3A_35 = tpu.memref_squeeze %dma_start3A_34 : memref<1x10000x64xf32, #tpu.memory_space<hbm>> -> memref<10000x64xf32, #tpu.memory_space<hbm>>
    %dma_start3A_36 = arith.constant 0 : i32
    %dma_start3A_37 = arith.constant 0 : i32
    %dma_start3A_38 = tpu.memref_slice %dma_start3A_35[%dma_start3A_36, %dma_start3A_37] : memref<10000x64xf32, #tpu.memory_space<hbm>> -> memref<10000x64xf32, #tpu.memory_space<hbm>>
    tpu.enqueue_indirect_dma source(%dma_start3A_38 : memref<10000x64xf32, #tpu.memory_space<hbm>>) target(%arg10 : memref<100x64xf32, #tpu.memory_space<vmem>>) offsets(%dma_start3A_31 : memref<100xi32, #tpu.memory_space<vmem>>) semaphore(%arg18 : memref<!tpu.dma_semaphore, #tpu.memory_space<semaphore_mem>>)
    %dma_start3A_39 = arith.constant 2 : i32
    %dma_start3A_40 = arith.constant 0 : i32
    %dma_start3A_41 = tpu.memref_slice %arg7[%dma_start3A_39, %dma_start3A_40] : memref<200x100xi32, #tpu.memory_space<vmem>> -> memref<1x100xi32, #tpu.memory_space<vmem>>
    %dma_start3A_42 = tpu.memref_squeeze %dma_start3A_41 : memref<1x100xi32, #tpu.memory_space<vmem>> -> memref<100xi32, #tpu.memory_space<vmem>>
    %dma_start3A_43 = arith.constant 0 : i32
    %dma_start3A_44 = arith.constant 0 : i32
    %dma_start3A_45 = tpu.memref_slice %arg4[%arg0, %dma_start3A_43, %dma_start3A_44] : memref<2x10000x64xf32, #tpu.memory_space<hbm>> -> memref<1x10000x64xf32, #tpu.memory_space<hbm>>
    %dma_start3A_46 = tpu.memref_squeeze %dma_start3A_45 : memref<1x10000x64xf32, #tpu.memory_space<hbm>> -> memref<10000x64xf32, #tpu.memory_space<hbm>>
    %dma_start3A_47 = arith.constant 0 : i32
    %dma_start3A_48 = arith.constant 0 : i32
    %dma_start3A_49 = tpu.memref_slice %dma_start3A_46[%dma_start3A_47, %dma_start3A_48] : memref<10000x64xf32, #tpu.memory_space<hbm>> -> memref<10000x64xf32, #tpu.memory_space<hbm>>
    tpu.enqueue_indirect_dma source(%dma_start3A_49 : memref<10000x64xf32, #tpu.memory_space<hbm>>) target(%arg11 : memref<100x64xf32, #tpu.memory_space<vmem>>) offsets(%dma_start3A_42 : memref<100xi32, #tpu.memory_space<vmem>>) semaphore(%arg19 : memref<!tpu.dma_semaphore, #tpu.memory_space<semaphore_mem>>)
    %dma_start3A_50 = arith.constant 3 : i32
    %dma_start3A_51 = arith.constant 0 : i32
    %dma_start3A_52 = tpu.memref_slice %arg7[%dma_start3A_50, %dma_start3A_51] : memref<200x100xi32, #tpu.memory_space<vmem>> -> memref<1x100xi32, #tpu.memory_space<vmem>>
    %dma_start3A_53 = tpu.memref_squeeze %dma_start3A_52 : memref<1x100xi32, #tpu.memory_space<vmem>> -> memref<100xi32, #tpu.memory_space<vmem>>
    %dma_start3A_54 = arith.constant 0 : i32
    %dma_start3A_55 = arith.constant 0 : i32
    %dma_start3A_56 = tpu.memref_slice %arg4[%arg0, %dma_start3A_54, %dma_start3A_55] : memref<2x10000x64xf32, #tpu.memory_space<hbm>> -> memref<1x10000x64xf32, #tpu.memory_space<hbm>>
    %dma_start3A_57 = tpu.memref_squeeze %dma_start3A_56 : memref<1x10000x64xf32, #tpu.memory_space<hbm>> -> memref<10000x64xf32, #tpu.memory_space<hbm>>
    %dma_start3A_58 = arith.constant 0 : i32
    %dma_start3A_59 = arith.constant 0 : i32
    %dma_start3A_60 = tpu.memref_slice %dma_start3A_57[%dma_start3A_58, %dma_start3A_59] : memref<10000x64xf32, #tpu.memory_space<hbm>> -> memref<10000x64xf32, #tpu.memory_space<hbm>>
    tpu.enqueue_indirect_dma source(%dma_start3A_60 : memref<10000x64xf32, #tpu.memory_space<hbm>>) target(%arg12 : memref<100x64xf32, #tpu.memory_space<vmem>>) offsets(%dma_start3A_53 : memref<100xi32, #tpu.memory_space<vmem>>) semaphore(%arg20 : memref<!tpu.dma_semaphore, #tpu.memory_space<semaphore_mem>>)
    %dma_wait3A = arith.constant 0 : i32
    %dma_wait3A_61 = arith.constant 0 : i32
    %dma_wait3A_62 = tpu.memref_slice %arg7[%dma_wait3A, %dma_wait3A_61] : memref<200x100xi32, #tpu.memory_space<vmem>> -> memref<1x100xi32, #tpu.memory_space<vmem>>
    %dma_wait3A_63 = tpu.memref_squeeze %dma_wait3A_62 : memref<1x100xi32, #tpu.memory_space<vmem>> -> memref<100xi32, #tpu.memory_space<vmem>>
    %dma_wait3A_64 = arith.constant 0 : i32
    %dma_wait3A_65 = arith.constant 0 : i32
    %dma_wait3A_66 = tpu.memref_slice %arg4[%arg0, %dma_wait3A_64, %dma_wait3A_65] : memref<2x10000x64xf32, #tpu.memory_space<hbm>> -> memref<1x10000x64xf32, #tpu.memory_space<hbm>>
    %dma_wait3A_67 = tpu.memref_squeeze %dma_wait3A_66 : memref<1x10000x64xf32, #tpu.memory_space<hbm>> -> memref<10000x64xf32, #tpu.memory_space<hbm>>
    %dma_wait3A_68 = arith.constant 0 : i32
    %dma_wait3A_69 = arith.constant 0 : i32
    %dma_wait3A_70 = tpu.memref_slice %dma_wait3A_67[%dma_wait3A_68, %dma_wait3A_69] : memref<10000x64xf32, #tpu.memory_space<hbm>> -> memref<10000x64xf32, #tpu.memory_space<hbm>>
    tpu.wait_indirect_dma semaphore(%arg17 : memref<!tpu.dma_semaphore, #tpu.memory_space<semaphore_mem>>) src(%dma_wait3A_70 : memref<10000x64xf32, #tpu.memory_space<hbm>>) dst(%arg9 : memref<100x64xf32, #tpu.memory_space<vmem>>)
    %dma_start3A_71 = arith.constant 0 : i32
    %dma_start3A_72 = arith.constant 0 : i32
    %dma_start3A_73 = tpu.memref_slice %arg8[%dma_start3A_71, %dma_start3A_72] : memref<200x100xi32, #tpu.memory_space<vmem>> -> memref<1x100xi32, #tpu.memory_space<vmem>>
    %dma_start3A_74 = tpu.memref_squeeze %dma_start3A_73 : memref<1x100xi32, #tpu.memory_space<vmem>> -> memref<100xi32, #tpu.memory_space<vmem>>
    %dma_start3A_75 = arith.constant 0 : i32
    %dma_start3A_76 = arith.constant 0 : i32
    %dma_start3A_77 = tpu.memref_slice %arg16[%dma_start3A_75, %dma_start3A_76] : memref<10240x64xf32, #tpu.memory_space<vmem_shared>> -> memref<10240x64xf32, #tpu.memory_space<vmem_shared>>
    tpu.enqueue_indirect_dma source(%arg9 : memref<100x64xf32, #tpu.memory_space<vmem>>) target(%dma_start3A_77 : memref<10240x64xf32, #tpu.memory_space<vmem_shared>>) offsets(%dma_start3A_74 : memref<100xi32, #tpu.memory_space<vmem>>) semaphore(%arg23 : memref<!tpu.dma_semaphore, #tpu.memory_space<semaphore_mem>>) {add = true}
    %dma_start3A_78 = arith.constant 4 : i32
    %dma_start3A_79 = arith.constant 0 : i32
    %dma_start3A_80 = tpu.memref_slice %arg7[%dma_start3A_78, %dma_start3A_79] : memref<200x100xi32, #tpu.memory_space<vmem>> -> memref<1x100xi32, #tpu.memory_space<vmem>>
    %dma_start3A_81 = tpu.memref_squeeze %dma_start3A_80 : memref<1x100xi32, #tpu.memory_space<vmem>> -> memref<100xi32, #tpu.memory_space<vmem>>
    %dma_start3A_82 = arith.constant 0 : i32
    %dma_start3A_83 = arith.constant 0 : i32
    %dma_start3A_84 = tpu.memref_slice %arg4[%arg0, %dma_start3A_82, %dma_start3A_83] : memref<2x10000x64xf32, #tpu.memory_space<hbm>> -> memref<1x10000x64xf32, #tpu.memory_space<hbm>>
    %dma_start3A_85 = tpu.memref_squeeze %dma_start3A_84 : memref<1x10000x64xf32, #tpu.memory_space<hbm>> -> memref<10000x64xf32, #tpu.memory_space<hbm>>
    %dma_start3A_86 = arith.constant 0 : i32
    %dma_start3A_87 = arith.constant 0 : i32
    %dma_start3A_88 = tpu.memref_slice %dma_start3A_85[%dma_start3A_86, %dma_start3A_87] : memref<10000x64xf32, #tpu.memory_space<hbm>> -> memref<10000x64xf32, #tpu.memory_space<hbm>>
    tpu.enqueue_indirect_dma source(%dma_start3A_88 : memref<10000x64xf32, #tpu.memory_space<hbm>>) target(%arg13 : memref<100x64xf32, #tpu.memory_space<vmem>>) offsets(%dma_start3A_81 : memref<100xi32, #tpu.memory_space<vmem>>) semaphore(%arg21 : memref<!tpu.dma_semaphore, #tpu.memory_space<semaphore_mem>>)
    %dma_wait3A_89 = arith.constant 1 : i32
    %dma_wait3A_90 = arith.constant 0 : i32
    %dma_wait3A_91 = tpu.memref_slice %arg7[%dma_wait3A_89, %dma_wait3A_90] : memref<200x100xi32, #tpu.memory_space<vmem>> -> memref<1x100xi32, #tpu.memory_space<vmem>>
    %dma_wait3A_92 = tpu.memref_squeeze %dma_wait3A_91 : memref<1x100xi32, #tpu.memory_space<vmem>> -> memref<100xi32, #tpu.memory_space<vmem>>
    %dma_wait3A_93 = arith.constant 0 : i32
    %dma_wait3A_94 = arith.constant 0 : i32
    %dma_wait3A_95 = tpu.memref_slice %arg4[%arg0, %dma_wait3A_93, %dma_wait3A_94] : memref<2x10000x64xf32, #tpu.memory_space<hbm>> -> memref<1x10000x64xf32, #tpu.memory_space<hbm>>
    %dma_wait3A_96 = tpu.memref_squeeze %dma_wait3A_95 : memref<1x10000x64xf32, #tpu.memory_space<hbm>> -> memref<10000x64xf32, #tpu.memory_space<hbm>>
    %dma_wait3A_97 = arith.constant 0 : i32
    %dma_wait3A_98 = arith.constant 0 : i32
    %dma_wait3A_99 = tpu.memref_slice %dma_wait3A_96[%dma_wait3A_97, %dma_wait3A_98] : memref<10000x64xf32, #tpu.memory_space<hbm>> -> memref<10000x64xf32, #tpu.memory_space<hbm>>
    tpu.wait_indirect_dma semaphore(%arg18 : memref<!tpu.dma_semaphore, #tpu.memory_space<semaphore_mem>>) src(%dma_wait3A_99 : memref<10000x64xf32, #tpu.memory_space<hbm>>) dst(%arg10 : memref<100x64xf32, #tpu.memory_space<vmem>>)
    %dma_start3A_100 = arith.constant 1 : i32
    %dma_start3A_101 = arith.constant 0 : i32
    %dma_start3A_102 = tpu.memref_slice %arg8[%dma_start3A_100, %dma_start3A_101] : memref<200x100xi32, #tpu.memory_space<vmem>> -> memref<1x100xi32, #tpu.memory_space<vmem>>
    %dma_start3A_103 = tpu.memref_squeeze %dma_start3A_102 : memref<1x100xi32, #tpu.memory_space<vmem>> -> memref<100xi32, #tpu.memory_space<vmem>>
    %dma_start3A_104 = arith.constant 0 : i32
    %dma_start3A_105 = arith.constant 0 : i32
    %dma_start3A_106 = tpu.memref_slice %arg16[%dma_start3A_104, %dma_start3A_105] : memref<10240x64xf32, #tpu.memory_space<vmem_shared>> -> memref<10240x64xf32, #tpu.memory_space<vmem_shared>>
    tpu.enqueue_indirect_dma source(%arg10 : memref<100x64xf32, #tpu.memory_space<vmem>>) target(%dma_start3A_106 : memref<10240x64xf32, #tpu.memory_space<vmem_shared>>) offsets(%dma_start3A_103 : memref<100xi32, #tpu.memory_space<vmem>>) semaphore(%arg24 : memref<!tpu.dma_semaphore, #tpu.memory_space<semaphore_mem>>) {add = true}
    %dma_start3A_107 = arith.constant 5 : i32
    %dma_start3A_108 = arith.constant 0 : i32
    %dma_start3A_109 = tpu.memref_slice %arg7[%dma_start3A_107, %dma_start3A_108] : memref<200x100xi32, #tpu.memory_space<vmem>> -> memref<1x100xi32, #tpu.memory_space<vmem>>
    %dma_start3A_110 = tpu.memref_squeeze %dma_start3A_109 : memref<1x100xi32, #tpu.memory_space<vmem>> -> memref<100xi32, #tpu.memory_space<vmem>>
    %dma_start3A_111 = arith.constant 0 : i32
    %dma_start3A_112 = arith.constant 0 : i32
    %dma_start3A_113 = tpu.memref_slice %arg4[%arg0, %dma_start3A_111, %dma_start3A_112] : memref<2x10000x64xf32, #tpu.memory_space<hbm>> -> memref<1x10000x64xf32, #tpu.memory_space<hbm>>
    %dma_start3A_114 = tpu.memref_squeeze %dma_start3A_113 : memref<1x10000x64xf32, #tpu.memory_space<hbm>> -> memref<10000x64xf32, #tpu.memory_space<hbm>>
    %dma_start3A_115 = arith.constant 0 : i32
    %dma_start3A_116 = arith.constant 0 : i32
    %dma_start3A_117 = tpu.memref_slice %dma_start3A_114[%dma_start3A_115, %dma_start3A_116] : memref<10000x64xf32, #tpu.memory_space<hbm>> -> memref<10000x64xf32, #tpu.memory_space<hbm>>
    tpu.enqueue_indirect_dma source(%dma_start3A_117 : memref<10000x64xf32, #tpu.memory_space<hbm>>) target(%arg14 : memref<100x64xf32, #tpu.memory_space<vmem>>) offsets(%dma_start3A_110 : memref<100xi32, #tpu.memory_space<vmem>>) semaphore(%arg22 : memref<!tpu.dma_semaphore, #tpu.memory_space<semaphore_mem>>)
    %scan3A = arith.constant 0 : i32
    %scan3A_118 = arith.constant 0 : i32
    %scan3A_119 = arith.constant 32 : i32
    %scan3A_120 = arith.addi %scan3A_118, %scan3A_119 : i32
    %scan3A_121 = arith.constant 1 : i32
    scf.for %scan3A_312 = %scan3A_118 to %scan3A_120 step %scan3A_121  : i32 {
      %mul3A_313 = arith.constant 6 : i32
      %mul3A_314 = arith.muli %mul3A_313, %scan3A_312 : i32
      %add3A_315 = arith.constant 2 : i32
      %add3A_316 = arith.addi %mul3A_314, %add3A_315 : i32
      %add3A_317 = arith.constant 0 : i32
      %add3A_318 = arith.addi %add3A_316, %add3A_317 : i32
      %dma_wait3A_319 = arith.constant 0 : i32
      %dma_wait3A_320 = tpu.memref_slice %arg7[%add3A_318, %dma_wait3A_319] : memref<200x100xi32, #tpu.memory_space<vmem>> -> memref<1x100xi32, #tpu.memory_space<vmem>>
      %dma_wait3A_321 = tpu.memref_squeeze %dma_wait3A_320 : memref<1x100xi32, #tpu.memory_space<vmem>> -> memref<100xi32, #tpu.memory_space<vmem>>
      %dma_wait3A_322 = arith.constant 0 : i32
      %dma_wait3A_323 = arith.constant 0 : i32
      %dma_wait3A_324 = tpu.memref_slice %arg4[%arg0, %dma_wait3A_322, %dma_wait3A_323] : memref<2x10000x64xf32, #tpu.memory_space<hbm>> -> memref<1x10000x64xf32, #tpu.memory_space<hbm>>
      %dma_wait3A_325 = tpu.memref_squeeze %dma_wait3A_324 : memref<1x10000x64xf32, #tpu.memory_space<hbm>> -> memref<10000x64xf32, #tpu.memory_space<hbm>>
      %dma_wait3A_326 = arith.constant 0 : i32
      %dma_wait3A_327 = arith.constant 0 : i32
      %dma_wait3A_328 = tpu.memref_slice %dma_wait3A_325[%dma_wait3A_326, %dma_wait3A_327] : memref<10000x64xf32, #tpu.memory_space<hbm>> -> memref<10000x64xf32, #tpu.memory_space<hbm>>
      tpu.wait_indirect_dma semaphore(%arg19 : memref<!tpu.dma_semaphore, #tpu.memory_space<semaphore_mem>>) src(%dma_wait3A_328 : memref<10000x64xf32, #tpu.memory_space<hbm>>) dst(%arg11 : memref<100x64xf32, #tpu.memory_space<vmem>>)
      %dma_start3A_329 = arith.constant 0 : i32
      %dma_start3A_330 = tpu.memref_slice %arg8[%add3A_318, %dma_start3A_329] : memref<200x100xi32, #tpu.memory_space<vmem>> -> memref<1x100xi32, #tpu.memory_space<vmem>>
      %dma_start3A_331 = tpu.memref_squeeze %dma_start3A_330 : memref<1x100xi32, #tpu.memory_space<vmem>> -> memref<100xi32, #tpu.memory_space<vmem>>
      %dma_start3A_332 = arith.constant 0 : i32
      %dma_start3A_333 = arith.constant 0 : i32
      %dma_start3A_334 = tpu.memref_slice %arg16[%dma_start3A_332, %dma_start3A_333] : memref<10240x64xf32, #tpu.memory_space<vmem_shared>> -> memref<10240x64xf32, #tpu.memory_space<vmem_shared>>
      tpu.enqueue_indirect_dma source(%arg11 : memref<100x64xf32, #tpu.memory_space<vmem>>) target(%dma_start3A_334 : memref<10240x64xf32, #tpu.memory_space<vmem_shared>>) offsets(%dma_start3A_331 : memref<100xi32, #tpu.memory_space<vmem>>) semaphore(%arg25 : memref<!tpu.dma_semaphore, #tpu.memory_space<semaphore_mem>>) {add = true}
      %sub3A = arith.constant 2 : i32
      %sub3A_335 = arith.subi %add3A_318, %sub3A : i32
      %dma_wait3A_336 = arith.constant 0 : i32
      %dma_wait3A_337 = tpu.memref_slice %arg8[%sub3A_335, %dma_wait3A_336] : memref<200x100xi32, #tpu.memory_space<vmem>> -> memref<1x100xi32, #tpu.memory_space<vmem>>
      %dma_wait3A_338 = tpu.memref_squeeze %dma_wait3A_337 : memref<1x100xi32, #tpu.memory_space<vmem>> -> memref<100xi32, #tpu.memory_space<vmem>>
      %dma_wait3A_339 = arith.constant 0 : i32
      %dma_wait3A_340 = arith.constant 0 : i32
      %dma_wait3A_341 = tpu.memref_slice %arg16[%dma_wait3A_339, %dma_wait3A_340] : memref<10240x64xf32, #tpu.memory_space<vmem_shared>> -> memref<10240x64xf32, #tpu.memory_space<vmem_shared>>
      tpu.wait_indirect_dma semaphore(%arg23 : memref<!tpu.dma_semaphore, #tpu.memory_space<semaphore_mem>>) src(%arg9 : memref<100x64xf32, #tpu.memory_space<vmem>>) dst(%dma_wait3A_341 : memref<10240x64xf32, #tpu.memory_space<vmem_shared>>)
      %add3A_342 = arith.constant 4 : i32
      %add3A_343 = arith.addi %add3A_318, %add3A_342 : i32
      %dma_start3A_344 = arith.constant 0 : i32
      %dma_start3A_345 = tpu.memref_slice %arg7[%add3A_343, %dma_start3A_344] : memref<200x100xi32, #tpu.memory_space<vmem>> -> memref<1x100xi32, #tpu.memory_space<vmem>>
      %dma_start3A_346 = tpu.memref_squeeze %dma_start3A_345 : memref<1x100xi32, #tpu.memory_space<vmem>> -> memref<100xi32, #tpu.memory_space<vmem>>
      %dma_start3A_347 = arith.constant 0 : i32
      %dma_start3A_348 = arith.constant 0 : i32
      %dma_start3A_349 = tpu.memref_slice %arg4[%arg0, %dma_start3A_347, %dma_start3A_348] : memref<2x10000x64xf32, #tpu.memory_space<hbm>> -> memref<1x10000x64xf32, #tpu.memory_space<hbm>>
      %dma_start3A_350 = tpu.memref_squeeze %dma_start3A_349 : memref<1x10000x64xf32, #tpu.memory_space<hbm>> -> memref<10000x64xf32, #tpu.memory_space<hbm>>
      %dma_start3A_351 = arith.constant 0 : i32
      %dma_start3A_352 = arith.constant 0 : i32
      %dma_start3A_353 = tpu.memref_slice %dma_start3A_350[%dma_start3A_351, %dma_start3A_352] : memref<10000x64xf32, #tpu.memory_space<hbm>> -> memref<10000x64xf32, #tpu.memory_space<hbm>>
      tpu.enqueue_indirect_dma source(%dma_start3A_353 : memref<10000x64xf32, #tpu.memory_space<hbm>>) target(%arg9 : memref<100x64xf32, #tpu.memory_space<vmem>>) offsets(%dma_start3A_346 : memref<100xi32, #tpu.memory_space<vmem>>) semaphore(%arg17 : memref<!tpu.dma_semaphore, #tpu.memory_space<semaphore_mem>>)
      %mul3A_354 = arith.constant 6 : i32
      %mul3A_355 = arith.muli %mul3A_354, %scan3A_312 : i32
      %add3A_356 = arith.constant 2 : i32
      %add3A_357 = arith.addi %mul3A_355, %add3A_356 : i32
      %add3A_358 = arith.constant 1 : i32
      %add3A_359 = arith.addi %add3A_357, %add3A_358 : i32
      %dma_wait3A_360 = arith.constant 0 : i32
      %dma_wait3A_361 = tpu.memref_slice %arg7[%add3A_359, %dma_wait3A_360] : memref<200x100xi32, #tpu.memory_space<vmem>> -> memref<1x100xi32, #tpu.memory_space<vmem>>
      %dma_wait3A_362 = tpu.memref_squeeze %dma_wait3A_361 : memref<1x100xi32, #tpu.memory_space<vmem>> -> memref<100xi32, #tpu.memory_space<vmem>>
      %dma_wait3A_363 = arith.constant 0 : i32
      %dma_wait3A_364 = arith.constant 0 : i32
      %dma_wait3A_365 = tpu.memref_slice %arg4[%arg0, %dma_wait3A_363, %dma_wait3A_364] : memref<2x10000x64xf32, #tpu.memory_space<hbm>> -> memref<1x10000x64xf32, #tpu.memory_space<hbm>>
      %dma_wait3A_366 = tpu.memref_squeeze %dma_wait3A_365 : memref<1x10000x64xf32, #tpu.memory_space<hbm>> -> memref<10000x64xf32, #tpu.memory_space<hbm>>
      %dma_wait3A_367 = arith.constant 0 : i32
      %dma_wait3A_368 = arith.constant 0 : i32
      %dma_wait3A_369 = tpu.memref_slice %dma_wait3A_366[%dma_wait3A_367, %dma_wait3A_368] : memref<10000x64xf32, #tpu.memory_space<hbm>> -> memref<10000x64xf32, #tpu.memory_space<hbm>>
      tpu.wait_indirect_dma semaphore(%arg20 : memref<!tpu.dma_semaphore, #tpu.memory_space<semaphore_mem>>) src(%dma_wait3A_369 : memref<10000x64xf32, #tpu.memory_space<hbm>>) dst(%arg12 : memref<100x64xf32, #tpu.memory_space<vmem>>)
      %dma_start3A_370 = arith.constant 0 : i32
      %dma_start3A_371 = tpu.memref_slice %arg8[%add3A_359, %dma_start3A_370] : memref<200x100xi32, #tpu.memory_space<vmem>> -> memref<1x100xi32, #tpu.memory_space<vmem>>
      %dma_start3A_372 = tpu.memref_squeeze %dma_start3A_371 : memref<1x100xi32, #tpu.memory_space<vmem>> -> memref<100xi32, #tpu.memory_space<vmem>>
      %dma_start3A_373 = arith.constant 0 : i32
      %dma_start3A_374 = arith.constant 0 : i32
      %dma_start3A_375 = tpu.memref_slice %arg16[%dma_start3A_373, %dma_start3A_374] : memref<10240x64xf32, #tpu.memory_space<vmem_shared>> -> memref<10240x64xf32, #tpu.memory_space<vmem_shared>>
      tpu.enqueue_indirect_dma source(%arg12 : memref<100x64xf32, #tpu.memory_space<vmem>>) target(%dma_start3A_375 : memref<10240x64xf32, #tpu.memory_space<vmem_shared>>) offsets(%dma_start3A_372 : memref<100xi32, #tpu.memory_space<vmem>>) semaphore(%arg26 : memref<!tpu.dma_semaphore, #tpu.memory_space<semaphore_mem>>) {add = true}
      %sub3A_376 = arith.constant 2 : i32
      %sub3A_377 = arith.subi %add3A_359, %sub3A_376 : i32
      %dma_wait3A_378 = arith.constant 0 : i32
      %dma_wait3A_379 = tpu.memref_slice %arg8[%sub3A_377, %dma_wait3A_378] : memref<200x100xi32, #tpu.memory_space<vmem>> -> memref<1x100xi32, #tpu.memory_space<vmem>>
      %dma_wait3A_380 = tpu.memref_squeeze %dma_wait3A_379 : memref<1x100xi32, #tpu.memory_space<vmem>> -> memref<100xi32, #tpu.memory_space<vmem>>
      %dma_wait3A_381 = arith.constant 0 : i32
      %dma_wait3A_382 = arith.constant 0 : i32
      %dma_wait3A_383 = tpu.memref_slice %arg16[%dma_wait3A_381, %dma_wait3A_382] : memref<10240x64xf32, #tpu.memory_space<vmem_shared>> -> memref<10240x64xf32, #tpu.memory_space<vmem_shared>>
      tpu.wait_indirect_dma semaphore(%arg24 : memref<!tpu.dma_semaphore, #tpu.memory_space<semaphore_mem>>) src(%arg10 : memref<100x64xf32, #tpu.memory_space<vmem>>) dst(%dma_wait3A_383 : memref<10240x64xf32, #tpu.memory_space<vmem_shared>>)
      %add3A_384 = arith.constant 4 : i32
      %add3A_385 = arith.addi %add3A_359, %add3A_384 : i32
      %dma_start3A_386 = arith.constant 0 : i32
      %dma_start3A_387 = tpu.memref_slice %arg7[%add3A_385, %dma_start3A_386] : memref<200x100xi32, #tpu.memory_space<vmem>> -> memref<1x100xi32, #tpu.memory_space<vmem>>
      %dma_start3A_388 = tpu.memref_squeeze %dma_start3A_387 : memref<1x100xi32, #tpu.memory_space<vmem>> -> memref<100xi32, #tpu.memory_space<vmem>>
      %dma_start3A_389 = arith.constant 0 : i32
      %dma_start3A_390 = arith.constant 0 : i32
      %dma_start3A_391 = tpu.memref_slice %arg4[%arg0, %dma_start3A_389, %dma_start3A_390] : memref<2x10000x64xf32, #tpu.memory_space<hbm>> -> memref<1x10000x64xf32, #tpu.memory_space<hbm>>
      %dma_start3A_392 = tpu.memref_squeeze %dma_start3A_391 : memref<1x10000x64xf32, #tpu.memory_space<hbm>> -> memref<10000x64xf32, #tpu.memory_space<hbm>>
      %dma_start3A_393 = arith.constant 0 : i32
      %dma_start3A_394 = arith.constant 0 : i32
      %dma_start3A_395 = tpu.memref_slice %dma_start3A_392[%dma_start3A_393, %dma_start3A_394] : memref<10000x64xf32, #tpu.memory_space<hbm>> -> memref<10000x64xf32, #tpu.memory_space<hbm>>
      tpu.enqueue_indirect_dma source(%dma_start3A_395 : memref<10000x64xf32, #tpu.memory_space<hbm>>) target(%arg10 : memref<100x64xf32, #tpu.memory_space<vmem>>) offsets(%dma_start3A_388 : memref<100xi32, #tpu.memory_space<vmem>>) semaphore(%arg18 : memref<!tpu.dma_semaphore, #tpu.memory_space<semaphore_mem>>)
      %mul3A_396 = arith.constant 6 : i32
      %mul3A_397 = arith.muli %mul3A_396, %scan3A_312 : i32
      %add3A_398 = arith.constant 2 : i32
      %add3A_399 = arith.addi %mul3A_397, %add3A_398 : i32
      %add3A_400 = arith.constant 2 : i32
      %add3A_401 = arith.addi %add3A_399, %add3A_400 : i32
      %dma_wait3A_402 = arith.constant 0 : i32
      %dma_wait3A_403 = tpu.memref_slice %arg7[%add3A_401, %dma_wait3A_402] : memref<200x100xi32, #tpu.memory_space<vmem>> -> memref<1x100xi32, #tpu.memory_space<vmem>>
      %dma_wait3A_404 = tpu.memref_squeeze %dma_wait3A_403 : memref<1x100xi32, #tpu.memory_space<vmem>> -> memref<100xi32, #tpu.memory_space<vmem>>
      %dma_wait3A_405 = arith.constant 0 : i32
      %dma_wait3A_406 = arith.constant 0 : i32
      %dma_wait3A_407 = tpu.memref_slice %arg4[%arg0, %dma_wait3A_405, %dma_wait3A_406] : memref<2x10000x64xf32, #tpu.memory_space<hbm>> -> memref<1x10000x64xf32, #tpu.memory_space<hbm>>
      %dma_wait3A_408 = tpu.memref_squeeze %dma_wait3A_407 : memref<1x10000x64xf32, #tpu.memory_space<hbm>> -> memref<10000x64xf32, #tpu.memory_space<hbm>>
      %dma_wait3A_409 = arith.constant 0 : i32
      %dma_wait3A_410 = arith.constant 0 : i32
      %dma_wait3A_411 = tpu.memref_slice %dma_wait3A_408[%dma_wait3A_409, %dma_wait3A_410] : memref<10000x64xf32, #tpu.memory_space<hbm>> -> memref<10000x64xf32, #tpu.memory_space<hbm>>
      tpu.wait_indirect_dma semaphore(%arg21 : memref<!tpu.dma_semaphore, #tpu.memory_space<semaphore_mem>>) src(%dma_wait3A_411 : memref<10000x64xf32, #tpu.memory_space<hbm>>) dst(%arg13 : memref<100x64xf32, #tpu.memory_space<vmem>>)
      %dma_start3A_412 = arith.constant 0 : i32
      %dma_start3A_413 = tpu.memref_slice %arg8[%add3A_401, %dma_start3A_412] : memref<200x100xi32, #tpu.memory_space<vmem>> -> memref<1x100xi32, #tpu.memory_space<vmem>>
      %dma_start3A_414 = tpu.memref_squeeze %dma_start3A_413 : memref<1x100xi32, #tpu.memory_space<vmem>> -> memref<100xi32, #tpu.memory_space<vmem>>
      %dma_start3A_415 = arith.constant 0 : i32
      %dma_start3A_416 = arith.constant 0 : i32
      %dma_start3A_417 = tpu.memref_slice %arg16[%dma_start3A_415, %dma_start3A_416] : memref<10240x64xf32, #tpu.memory_space<vmem_shared>> -> memref<10240x64xf32, #tpu.memory_space<vmem_shared>>
      tpu.enqueue_indirect_dma source(%arg13 : memref<100x64xf32, #tpu.memory_space<vmem>>) target(%dma_start3A_417 : memref<10240x64xf32, #tpu.memory_space<vmem_shared>>) offsets(%dma_start3A_414 : memref<100xi32, #tpu.memory_space<vmem>>) semaphore(%arg27 : memref<!tpu.dma_semaphore, #tpu.memory_space<semaphore_mem>>) {add = true}
      %sub3A_418 = arith.constant 2 : i32
      %sub3A_419 = arith.subi %add3A_401, %sub3A_418 : i32
      %dma_wait3A_420 = arith.constant 0 : i32
      %dma_wait3A_421 = tpu.memref_slice %arg8[%sub3A_419, %dma_wait3A_420] : memref<200x100xi32, #tpu.memory_space<vmem>> -> memref<1x100xi32, #tpu.memory_space<vmem>>
      %dma_wait3A_422 = tpu.memref_squeeze %dma_wait3A_421 : memref<1x100xi32, #tpu.memory_space<vmem>> -> memref<100xi32, #tpu.memory_space<vmem>>
      %dma_wait3A_423 = arith.constant 0 : i32
      %dma_wait3A_424 = arith.constant 0 : i32
      %dma_wait3A_425 = tpu.memref_slice %arg16[%dma_wait3A_423, %dma_wait3A_424] : memref<10240x64xf32, #tpu.memory_space<vmem_shared>> -> memref<10240x64xf32, #tpu.memory_space<vmem_shared>>
      tpu.wait_indirect_dma semaphore(%arg25 : memref<!tpu.dma_semaphore, #tpu.memory_space<semaphore_mem>>) src(%arg11 : memref<100x64xf32, #tpu.memory_space<vmem>>) dst(%dma_wait3A_425 : memref<10240x64xf32, #tpu.memory_space<vmem_shared>>)
      %add3A_426 = arith.constant 4 : i32
      %add3A_427 = arith.addi %add3A_401, %add3A_426 : i32
      %dma_start3A_428 = arith.constant 0 : i32
      %dma_start3A_429 = tpu.memref_slice %arg7[%add3A_427, %dma_start3A_428] : memref<200x100xi32, #tpu.memory_space<vmem>> -> memref<1x100xi32, #tpu.memory_space<vmem>>
      %dma_start3A_430 = tpu.memref_squeeze %dma_start3A_429 : memref<1x100xi32, #tpu.memory_space<vmem>> -> memref<100xi32, #tpu.memory_space<vmem>>
      %dma_start3A_431 = arith.constant 0 : i32
      %dma_start3A_432 = arith.constant 0 : i32
      %dma_start3A_433 = tpu.memref_slice %arg4[%arg0, %dma_start3A_431, %dma_start3A_432] : memref<2x10000x64xf32, #tpu.memory_space<hbm>> -> memref<1x10000x64xf32, #tpu.memory_space<hbm>>
      %dma_start3A_434 = tpu.memref_squeeze %dma_start3A_433 : memref<1x10000x64xf32, #tpu.memory_space<hbm>> -> memref<10000x64xf32, #tpu.memory_space<hbm>>
      %dma_start3A_435 = arith.constant 0 : i32
      %dma_start3A_436 = arith.constant 0 : i32
      %dma_start3A_437 = tpu.memref_slice %dma_start3A_434[%dma_start3A_435, %dma_start3A_436] : memref<10000x64xf32, #tpu.memory_space<hbm>> -> memref<10000x64xf32, #tpu.memory_space<hbm>>
      tpu.enqueue_indirect_dma source(%dma_start3A_437 : memref<10000x64xf32, #tpu.memory_space<hbm>>) target(%arg11 : memref<100x64xf32, #tpu.memory_space<vmem>>) offsets(%dma_start3A_430 : memref<100xi32, #tpu.memory_space<vmem>>) semaphore(%arg19 : memref<!tpu.dma_semaphore, #tpu.memory_space<semaphore_mem>>)
      %mul3A_438 = arith.constant 6 : i32
      %mul3A_439 = arith.muli %mul3A_438, %scan3A_312 : i32
      %add3A_440 = arith.constant 2 : i32
      %add3A_441 = arith.addi %mul3A_439, %add3A_440 : i32
      %add3A_442 = arith.constant 3 : i32
      %add3A_443 = arith.addi %add3A_441, %add3A_442 : i32
      %dma_wait3A_444 = arith.constant 0 : i32
      %dma_wait3A_445 = tpu.memref_slice %arg7[%add3A_443, %dma_wait3A_444] : memref<200x100xi32, #tpu.memory_space<vmem>> -> memref<1x100xi32, #tpu.memory_space<vmem>>
      %dma_wait3A_446 = tpu.memref_squeeze %dma_wait3A_445 : memref<1x100xi32, #tpu.memory_space<vmem>> -> memref<100xi32, #tpu.memory_space<vmem>>
      %dma_wait3A_447 = arith.constant 0 : i32
      %dma_wait3A_448 = arith.constant 0 : i32
      %dma_wait3A_449 = tpu.memref_slice %arg4[%arg0, %dma_wait3A_447, %dma_wait3A_448] : memref<2x10000x64xf32, #tpu.memory_space<hbm>> -> memref<1x10000x64xf32, #tpu.memory_space<hbm>>
      %dma_wait3A_450 = tpu.memref_squeeze %dma_wait3A_449 : memref<1x10000x64xf32, #tpu.memory_space<hbm>> -> memref<10000x64xf32, #tpu.memory_space<hbm>>
      %dma_wait3A_451 = arith.constant 0 : i32
      %dma_wait3A_452 = arith.constant 0 : i32
      %dma_wait3A_453 = tpu.memref_slice %dma_wait3A_450[%dma_wait3A_451, %dma_wait3A_452] : memref<10000x64xf32, #tpu.memory_space<hbm>> -> memref<10000x64xf32, #tpu.memory_space<hbm>>
      tpu.wait_indirect_dma semaphore(%arg22 : memref<!tpu.dma_semaphore, #tpu.memory_space<semaphore_mem>>) src(%dma_wait3A_453 : memref<10000x64xf32, #tpu.memory_space<hbm>>) dst(%arg14 : memref<100x64xf32, #tpu.memory_space<vmem>>)
      %dma_start3A_454 = arith.constant 0 : i32
      %dma_start3A_455 = tpu.memref_slice %arg8[%add3A_443, %dma_start3A_454] : memref<200x100xi32, #tpu.memory_space<vmem>> -> memref<1x100xi32, #tpu.memory_space<vmem>>
      %dma_start3A_456 = tpu.memref_squeeze %dma_start3A_455 : memref<1x100xi32, #tpu.memory_space<vmem>> -> memref<100xi32, #tpu.memory_space<vmem>>
      %dma_start3A_457 = arith.constant 0 : i32
      %dma_start3A_458 = arith.constant 0 : i32
      %dma_start3A_459 = tpu.memref_slice %arg16[%dma_start3A_457, %dma_start3A_458] : memref<10240x64xf32, #tpu.memory_space<vmem_shared>> -> memref<10240x64xf32, #tpu.memory_space<vmem_shared>>
      tpu.enqueue_indirect_dma source(%arg14 : memref<100x64xf32, #tpu.memory_space<vmem>>) target(%dma_start3A_459 : memref<10240x64xf32, #tpu.memory_space<vmem_shared>>) offsets(%dma_start3A_456 : memref<100xi32, #tpu.memory_space<vmem>>) semaphore(%arg28 : memref<!tpu.dma_semaphore, #tpu.memory_space<semaphore_mem>>) {add = true}
      %sub3A_460 = arith.constant 2 : i32
      %sub3A_461 = arith.subi %add3A_443, %sub3A_460 : i32
      %dma_wait3A_462 = arith.constant 0 : i32
      %dma_wait3A_463 = tpu.memref_slice %arg8[%sub3A_461, %dma_wait3A_462] : memref<200x100xi32, #tpu.memory_space<vmem>> -> memref<1x100xi32, #tpu.memory_space<vmem>>
      %dma_wait3A_464 = tpu.memref_squeeze %dma_wait3A_463 : memref<1x100xi32, #tpu.memory_space<vmem>> -> memref<100xi32, #tpu.memory_space<vmem>>
      %dma_wait3A_465 = arith.constant 0 : i32
      %dma_wait3A_466 = arith.constant 0 : i32
      %dma_wait3A_467 = tpu.memref_slice %arg16[%dma_wait3A_465, %dma_wait3A_466] : memref<10240x64xf32, #tpu.memory_space<vmem_shared>> -> memref<10240x64xf32, #tpu.memory_space<vmem_shared>>
      tpu.wait_indirect_dma semaphore(%arg26 : memref<!tpu.dma_semaphore, #tpu.memory_space<semaphore_mem>>) src(%arg12 : memref<100x64xf32, #tpu.memory_space<vmem>>) dst(%dma_wait3A_467 : memref<10240x64xf32, #tpu.memory_space<vmem_shared>>)
      %add3A_468 = arith.constant 4 : i32
      %add3A_469 = arith.addi %add3A_443, %add3A_468 : i32
      %dma_start3A_470 = arith.constant 0 : i32
      %dma_start3A_471 = tpu.memref_slice %arg7[%add3A_469, %dma_start3A_470] : memref<200x100xi32, #tpu.memory_space<vmem>> -> memref<1x100xi32, #tpu.memory_space<vmem>>
      %dma_start3A_472 = tpu.memref_squeeze %dma_start3A_471 : memref<1x100xi32, #tpu.memory_space<vmem>> -> memref<100xi32, #tpu.memory_space<vmem>>
      %dma_start3A_473 = arith.constant 0 : i32
      %dma_start3A_474 = arith.constant 0 : i32
      %dma_start3A_475 = tpu.memref_slice %arg4[%arg0, %dma_start3A_473, %dma_start3A_474] : memref<2x10000x64xf32, #tpu.memory_space<hbm>> -> memref<1x10000x64xf32, #tpu.memory_space<hbm>>
      %dma_start3A_476 = tpu.memref_squeeze %dma_start3A_475 : memref<1x10000x64xf32, #tpu.memory_space<hbm>> -> memref<10000x64xf32, #tpu.memory_space<hbm>>
      %dma_start3A_477 = arith.constant 0 : i32
      %dma_start3A_478 = arith.constant 0 : i32
      %dma_start3A_479 = tpu.memref_slice %dma_start3A_476[%dma_start3A_477, %dma_start3A_478] : memref<10000x64xf32, #tpu.memory_space<hbm>> -> memref<10000x64xf32, #tpu.memory_space<hbm>>
      tpu.enqueue_indirect_dma source(%dma_start3A_479 : memref<10000x64xf32, #tpu.memory_space<hbm>>) target(%arg12 : memref<100x64xf32, #tpu.memory_space<vmem>>) offsets(%dma_start3A_472 : memref<100xi32, #tpu.memory_space<vmem>>) semaphore(%arg20 : memref<!tpu.dma_semaphore, #tpu.memory_space<semaphore_mem>>)
      %mul3A_480 = arith.constant 6 : i32
      %mul3A_481 = arith.muli %mul3A_480, %scan3A_312 : i32
      %add3A_482 = arith.constant 2 : i32
      %add3A_483 = arith.addi %mul3A_481, %add3A_482 : i32
      %add3A_484 = arith.constant 4 : i32
      %add3A_485 = arith.addi %add3A_483, %add3A_484 : i32
      %dma_wait3A_486 = arith.constant 0 : i32
      %dma_wait3A_487 = tpu.memref_slice %arg7[%add3A_485, %dma_wait3A_486] : memref<200x100xi32, #tpu.memory_space<vmem>> -> memref<1x100xi32, #tpu.memory_space<vmem>>
      %dma_wait3A_488 = tpu.memref_squeeze %dma_wait3A_487 : memref<1x100xi32, #tpu.memory_space<vmem>> -> memref<100xi32, #tpu.memory_space<vmem>>
      %dma_wait3A_489 = arith.constant 0 : i32
      %dma_wait3A_490 = arith.constant 0 : i32
      %dma_wait3A_491 = tpu.memref_slice %arg4[%arg0, %dma_wait3A_489, %dma_wait3A_490] : memref<2x10000x64xf32, #tpu.memory_space<hbm>> -> memref<1x10000x64xf32, #tpu.memory_space<hbm>>
      %dma_wait3A_492 = tpu.memref_squeeze %dma_wait3A_491 : memref<1x10000x64xf32, #tpu.memory_space<hbm>> -> memref<10000x64xf32, #tpu.memory_space<hbm>>
      %dma_wait3A_493 = arith.constant 0 : i32
      %dma_wait3A_494 = arith.constant 0 : i32
      %dma_wait3A_495 = tpu.memref_slice %dma_wait3A_492[%dma_wait3A_493, %dma_wait3A_494] : memref<10000x64xf32, #tpu.memory_space<hbm>> -> memref<10000x64xf32, #tpu.memory_space<hbm>>
      tpu.wait_indirect_dma semaphore(%arg17 : memref<!tpu.dma_semaphore, #tpu.memory_space<semaphore_mem>>) src(%dma_wait3A_495 : memref<10000x64xf32, #tpu.memory_space<hbm>>) dst(%arg9 : memref<100x64xf32, #tpu.memory_space<vmem>>)
      %dma_start3A_496 = arith.constant 0 : i32
      %dma_start3A_497 = tpu.memref_slice %arg8[%add3A_485, %dma_start3A_496] : memref<200x100xi32, #tpu.memory_space<vmem>> -> memref<1x100xi32, #tpu.memory_space<vmem>>
      %dma_start3A_498 = tpu.memref_squeeze %dma_start3A_497 : memref<1x100xi32, #tpu.memory_space<vmem>> -> memref<100xi32, #tpu.memory_space<vmem>>
      %dma_start3A_499 = arith.constant 0 : i32
      %dma_start3A_500 = arith.constant 0 : i32
      %dma_start3A_501 = tpu.memref_slice %arg16[%dma_start3A_499, %dma_start3A_500] : memref<10240x64xf32, #tpu.memory_space<vmem_shared>> -> memref<10240x64xf32, #tpu.memory_space<vmem_shared>>
      tpu.enqueue_indirect_dma source(%arg9 : memref<100x64xf32, #tpu.memory_space<vmem>>) target(%dma_start3A_501 : memref<10240x64xf32, #tpu.memory_space<vmem_shared>>) offsets(%dma_start3A_498 : memref<100xi32, #tpu.memory_space<vmem>>) semaphore(%arg23 : memref<!tpu.dma_semaphore, #tpu.memory_space<semaphore_mem>>) {add = true}
      %sub3A_502 = arith.constant 2 : i32
      %sub3A_503 = arith.subi %add3A_485, %sub3A_502 : i32
      %dma_wait3A_504 = arith.constant 0 : i32
      %dma_wait3A_505 = tpu.memref_slice %arg8[%sub3A_503, %dma_wait3A_504] : memref<200x100xi32, #tpu.memory_space<vmem>> -> memref<1x100xi32, #tpu.memory_space<vmem>>
      %dma_wait3A_506 = tpu.memref_squeeze %dma_wait3A_505 : memref<1x100xi32, #tpu.memory_space<vmem>> -> memref<100xi32, #tpu.memory_space<vmem>>
      %dma_wait3A_507 = arith.constant 0 : i32
      %dma_wait3A_508 = arith.constant 0 : i32
      %dma_wait3A_509 = tpu.memref_slice %arg16[%dma_wait3A_507, %dma_wait3A_508] : memref<10240x64xf32, #tpu.memory_space<vmem_shared>> -> memref<10240x64xf32, #tpu.memory_space<vmem_shared>>
      tpu.wait_indirect_dma semaphore(%arg27 : memref<!tpu.dma_semaphore, #tpu.memory_space<semaphore_mem>>) src(%arg13 : memref<100x64xf32, #tpu.memory_space<vmem>>) dst(%dma_wait3A_509 : memref<10240x64xf32, #tpu.memory_space<vmem_shared>>)
      %add3A_510 = arith.constant 4 : i32
      %add3A_511 = arith.addi %add3A_485, %add3A_510 : i32
      %dma_start3A_512 = arith.constant 0 : i32
      %dma_start3A_513 = tpu.memref_slice %arg7[%add3A_511, %dma_start3A_512] : memref<200x100xi32, #tpu.memory_space<vmem>> -> memref<1x100xi32, #tpu.memory_space<vmem>>
      %dma_start3A_514 = tpu.memref_squeeze %dma_start3A_513 : memref<1x100xi32, #tpu.memory_space<vmem>> -> memref<100xi32, #tpu.memory_space<vmem>>
      %dma_start3A_515 = arith.constant 0 : i32
      %dma_start3A_516 = arith.constant 0 : i32
      %dma_start3A_517 = tpu.memref_slice %arg4[%arg0, %dma_start3A_515, %dma_start3A_516] : memref<2x10000x64xf32, #tpu.memory_space<hbm>> -> memref<1x10000x64xf32, #tpu.memory_space<hbm>>
      %dma_start3A_518 = tpu.memref_squeeze %dma_start3A_517 : memref<1x10000x64xf32, #tpu.memory_space<hbm>> -> memref<10000x64xf32, #tpu.memory_space<hbm>>
      %dma_start3A_519 = arith.constant 0 : i32
      %dma_start3A_520 = arith.constant 0 : i32
      %dma_start3A_521 = tpu.memref_slice %dma_start3A_518[%dma_start3A_519, %dma_start3A_520] : memref<10000x64xf32, #tpu.memory_space<hbm>> -> memref<10000x64xf32, #tpu.memory_space<hbm>>
      tpu.enqueue_indirect_dma source(%dma_start3A_521 : memref<10000x64xf32, #tpu.memory_space<hbm>>) target(%arg13 : memref<100x64xf32, #tpu.memory_space<vmem>>) offsets(%dma_start3A_514 : memref<100xi32, #tpu.memory_space<vmem>>) semaphore(%arg21 : memref<!tpu.dma_semaphore, #tpu.memory_space<semaphore_mem>>)
      %mul3A_522 = arith.constant 6 : i32
      %mul3A_523 = arith.muli %mul3A_522, %scan3A_312 : i32
      %add3A_524 = arith.constant 2 : i32
      %add3A_525 = arith.addi %mul3A_523, %add3A_524 : i32
      %add3A_526 = arith.constant 5 : i32
      %add3A_527 = arith.addi %add3A_525, %add3A_526 : i32
      %dma_wait3A_528 = arith.constant 0 : i32
      %dma_wait3A_529 = tpu.memref_slice %arg7[%add3A_527, %dma_wait3A_528] : memref<200x100xi32, #tpu.memory_space<vmem>> -> memref<1x100xi32, #tpu.memory_space<vmem>>
      %dma_wait3A_530 = tpu.memref_squeeze %dma_wait3A_529 : memref<1x100xi32, #tpu.memory_space<vmem>> -> memref<100xi32, #tpu.memory_space<vmem>>
      %dma_wait3A_531 = arith.constant 0 : i32
      %dma_wait3A_532 = arith.constant 0 : i32
      %dma_wait3A_533 = tpu.memref_slice %arg4[%arg0, %dma_wait3A_531, %dma_wait3A_532] : memref<2x10000x64xf32, #tpu.memory_space<hbm>> -> memref<1x10000x64xf32, #tpu.memory_space<hbm>>
      %dma_wait3A_534 = tpu.memref_squeeze %dma_wait3A_533 : memref<1x10000x64xf32, #tpu.memory_space<hbm>> -> memref<10000x64xf32, #tpu.memory_space<hbm>>
      %dma_wait3A_535 = arith.constant 0 : i32
      %dma_wait3A_536 = arith.constant 0 : i32
      %dma_wait3A_537 = tpu.memref_slice %dma_wait3A_534[%dma_wait3A_535, %dma_wait3A_536] : memref<10000x64xf32, #tpu.memory_space<hbm>> -> memref<10000x64xf32, #tpu.memory_space<hbm>>
      tpu.wait_indirect_dma semaphore(%arg18 : memref<!tpu.dma_semaphore, #tpu.memory_space<semaphore_mem>>) src(%dma_wait3A_537 : memref<10000x64xf32, #tpu.memory_space<hbm>>) dst(%arg10 : memref<100x64xf32, #tpu.memory_space<vmem>>)
      %dma_start3A_538 = arith.constant 0 : i32
      %dma_start3A_539 = tpu.memref_slice %arg8[%add3A_527, %dma_start3A_538] : memref<200x100xi32, #tpu.memory_space<vmem>> -> memref<1x100xi32, #tpu.memory_space<vmem>>
      %dma_start3A_540 = tpu.memref_squeeze %dma_start3A_539 : memref<1x100xi32, #tpu.memory_space<vmem>> -> memref<100xi32, #tpu.memory_space<vmem>>
      %dma_start3A_541 = arith.constant 0 : i32
      %dma_start3A_542 = arith.constant 0 : i32
      %dma_start3A_543 = tpu.memref_slice %arg16[%dma_start3A_541, %dma_start3A_542] : memref<10240x64xf32, #tpu.memory_space<vmem_shared>> -> memref<10240x64xf32, #tpu.memory_space<vmem_shared>>
      tpu.enqueue_indirect_dma source(%arg10 : memref<100x64xf32, #tpu.memory_space<vmem>>) target(%dma_start3A_543 : memref<10240x64xf32, #tpu.memory_space<vmem_shared>>) offsets(%dma_start3A_540 : memref<100xi32, #tpu.memory_space<vmem>>) semaphore(%arg24 : memref<!tpu.dma_semaphore, #tpu.memory_space<semaphore_mem>>) {add = true}
      %sub3A_544 = arith.constant 2 : i32
      %sub3A_545 = arith.subi %add3A_527, %sub3A_544 : i32
      %dma_wait3A_546 = arith.constant 0 : i32
      %dma_wait3A_547 = tpu.memref_slice %arg8[%sub3A_545, %dma_wait3A_546] : memref<200x100xi32, #tpu.memory_space<vmem>> -> memref<1x100xi32, #tpu.memory_space<vmem>>
      %dma_wait3A_548 = tpu.memref_squeeze %dma_wait3A_547 : memref<1x100xi32, #tpu.memory_space<vmem>> -> memref<100xi32, #tpu.memory_space<vmem>>
      %dma_wait3A_549 = arith.constant 0 : i32
      %dma_wait3A_550 = arith.constant 0 : i32
      %dma_wait3A_551 = tpu.memref_slice %arg16[%dma_wait3A_549, %dma_wait3A_550] : memref<10240x64xf32, #tpu.memory_space<vmem_shared>> -> memref<10240x64xf32, #tpu.memory_space<vmem_shared>>
      tpu.wait_indirect_dma semaphore(%arg28 : memref<!tpu.dma_semaphore, #tpu.memory_space<semaphore_mem>>) src(%arg14 : memref<100x64xf32, #tpu.memory_space<vmem>>) dst(%dma_wait3A_551 : memref<10240x64xf32, #tpu.memory_space<vmem_shared>>)
      %add3A_552 = arith.constant 4 : i32
      %add3A_553 = arith.addi %add3A_527, %add3A_552 : i32
      %dma_start3A_554 = arith.constant 0 : i32
      %dma_start3A_555 = tpu.memref_slice %arg7[%add3A_553, %dma_start3A_554] : memref<200x100xi32, #tpu.memory_space<vmem>> -> memref<1x100xi32, #tpu.memory_space<vmem>>
      %dma_start3A_556 = tpu.memref_squeeze %dma_start3A_555 : memref<1x100xi32, #tpu.memory_space<vmem>> -> memref<100xi32, #tpu.memory_space<vmem>>
      %dma_start3A_557 = arith.constant 0 : i32
      %dma_start3A_558 = arith.constant 0 : i32
      %dma_start3A_559 = tpu.memref_slice %arg4[%arg0, %dma_start3A_557, %dma_start3A_558] : memref<2x10000x64xf32, #tpu.memory_space<hbm>> -> memref<1x10000x64xf32, #tpu.memory_space<hbm>>
      %dma_start3A_560 = tpu.memref_squeeze %dma_start3A_559 : memref<1x10000x64xf32, #tpu.memory_space<hbm>> -> memref<10000x64xf32, #tpu.memory_space<hbm>>
      %dma_start3A_561 = arith.constant 0 : i32
      %dma_start3A_562 = arith.constant 0 : i32
      %dma_start3A_563 = tpu.memref_slice %dma_start3A_560[%dma_start3A_561, %dma_start3A_562] : memref<10000x64xf32, #tpu.memory_space<hbm>> -> memref<10000x64xf32, #tpu.memory_space<hbm>>
      tpu.enqueue_indirect_dma source(%dma_start3A_563 : memref<10000x64xf32, #tpu.memory_space<hbm>>) target(%arg14 : memref<100x64xf32, #tpu.memory_space<vmem>>) offsets(%dma_start3A_556 : memref<100xi32, #tpu.memory_space<vmem>>) semaphore(%arg22 : memref<!tpu.dma_semaphore, #tpu.memory_space<semaphore_mem>>)
    }
    %scan3A_122 = arith.constant 32 : i32
    %dma_wait3A_123 = arith.constant 194 : i32
    %dma_wait3A_124 = arith.constant 0 : i32
    %dma_wait3A_125 = tpu.memref_slice %arg7[%dma_wait3A_123, %dma_wait3A_124] : memref<200x100xi32, #tpu.memory_space<vmem>> -> memref<1x100xi32, #tpu.memory_space<vmem>>
    %dma_wait3A_126 = tpu.memref_squeeze %dma_wait3A_125 : memref<1x100xi32, #tpu.memory_space<vmem>> -> memref<100xi32, #tpu.memory_space<vmem>>
    %dma_wait3A_127 = arith.constant 0 : i32
    %dma_wait3A_128 = arith.constant 0 : i32
    %dma_wait3A_129 = tpu.memref_slice %arg4[%arg0, %dma_wait3A_127, %dma_wait3A_128] : memref<2x10000x64xf32, #tpu.memory_space<hbm>> -> memref<1x10000x64xf32, #tpu.memory_space<hbm>>
    %dma_wait3A_130 = tpu.memref_squeeze %dma_wait3A_129 : memref<1x10000x64xf32, #tpu.memory_space<hbm>> -> memref<10000x64xf32, #tpu.memory_space<hbm>>
    %dma_wait3A_131 = arith.constant 0 : i32
    %dma_wait3A_132 = arith.constant 0 : i32
    %dma_wait3A_133 = tpu.memref_slice %dma_wait3A_130[%dma_wait3A_131, %dma_wait3A_132] : memref<10000x64xf32, #tpu.memory_space<hbm>> -> memref<10000x64xf32, #tpu.memory_space<hbm>>
    tpu.wait_indirect_dma semaphore(%arg19 : memref<!tpu.dma_semaphore, #tpu.memory_space<semaphore_mem>>) src(%dma_wait3A_133 : memref<10000x64xf32, #tpu.memory_space<hbm>>) dst(%arg11 : memref<100x64xf32, #tpu.memory_space<vmem>>)
    %dma_start3A_134 = arith.constant 194 : i32
    %dma_start3A_135 = arith.constant 0 : i32
    %dma_start3A_136 = tpu.memref_slice %arg8[%dma_start3A_134, %dma_start3A_135] : memref<200x100xi32, #tpu.memory_space<vmem>> -> memref<1x100xi32, #tpu.memory_space<vmem>>
    %dma_start3A_137 = tpu.memref_squeeze %dma_start3A_136 : memref<1x100xi32, #tpu.memory_space<vmem>> -> memref<100xi32, #tpu.memory_space<vmem>>
    %dma_start3A_138 = arith.constant 0 : i32
    %dma_start3A_139 = arith.constant 0 : i32
    %dma_start3A_140 = tpu.memref_slice %arg16[%dma_start3A_138, %dma_start3A_139] : memref<10240x64xf32, #tpu.memory_space<vmem_shared>> -> memref<10240x64xf32, #tpu.memory_space<vmem_shared>>
    tpu.enqueue_indirect_dma source(%arg11 : memref<100x64xf32, #tpu.memory_space<vmem>>) target(%dma_start3A_140 : memref<10240x64xf32, #tpu.memory_space<vmem_shared>>) offsets(%dma_start3A_137 : memref<100xi32, #tpu.memory_space<vmem>>) semaphore(%arg25 : memref<!tpu.dma_semaphore, #tpu.memory_space<semaphore_mem>>) {add = true}
    %dma_wait3A_141 = arith.constant 192 : i32
    %dma_wait3A_142 = arith.constant 0 : i32
    %dma_wait3A_143 = tpu.memref_slice %arg8[%dma_wait3A_141, %dma_wait3A_142] : memref<200x100xi32, #tpu.memory_space<vmem>> -> memref<1x100xi32, #tpu.memory_space<vmem>>
    %dma_wait3A_144 = tpu.memref_squeeze %dma_wait3A_143 : memref<1x100xi32, #tpu.memory_space<vmem>> -> memref<100xi32, #tpu.memory_space<vmem>>
    %dma_wait3A_145 = arith.constant 0 : i32
    %dma_wait3A_146 = arith.constant 0 : i32
    %dma_wait3A_147 = tpu.memref_slice %arg16[%dma_wait3A_145, %dma_wait3A_146] : memref<10240x64xf32, #tpu.memory_space<vmem_shared>> -> memref<10240x64xf32, #tpu.memory_space<vmem_shared>>
    tpu.wait_indirect_dma semaphore(%arg23 : memref<!tpu.dma_semaphore, #tpu.memory_space<semaphore_mem>>) src(%arg9 : memref<100x64xf32, #tpu.memory_space<vmem>>) dst(%dma_wait3A_147 : memref<10240x64xf32, #tpu.memory_space<vmem_shared>>)
    %dma_start3A_148 = arith.constant 198 : i32
    %dma_start3A_149 = arith.constant 0 : i32
    %dma_start3A_150 = tpu.memref_slice %arg7[%dma_start3A_148, %dma_start3A_149] : memref<200x100xi32, #tpu.memory_space<vmem>> -> memref<1x100xi32, #tpu.memory_space<vmem>>
    %dma_start3A_151 = tpu.memref_squeeze %dma_start3A_150 : memref<1x100xi32, #tpu.memory_space<vmem>> -> memref<100xi32, #tpu.memory_space<vmem>>
    %dma_start3A_152 = arith.constant 0 : i32
    %dma_start3A_153 = arith.constant 0 : i32
    %dma_start3A_154 = tpu.memref_slice %arg4[%arg0, %dma_start3A_152, %dma_start3A_153] : memref<2x10000x64xf32, #tpu.memory_space<hbm>> -> memref<1x10000x64xf32, #tpu.memory_space<hbm>>
    %dma_start3A_155 = tpu.memref_squeeze %dma_start3A_154 : memref<1x10000x64xf32, #tpu.memory_space<hbm>> -> memref<10000x64xf32, #tpu.memory_space<hbm>>
    %dma_start3A_156 = arith.constant 0 : i32
    %dma_start3A_157 = arith.constant 0 : i32
    %dma_start3A_158 = tpu.memref_slice %dma_start3A_155[%dma_start3A_156, %dma_start3A_157] : memref<10000x64xf32, #tpu.memory_space<hbm>> -> memref<10000x64xf32, #tpu.memory_space<hbm>>
    tpu.enqueue_indirect_dma source(%dma_start3A_158 : memref<10000x64xf32, #tpu.memory_space<hbm>>) target(%arg9 : memref<100x64xf32, #tpu.memory_space<vmem>>) offsets(%dma_start3A_151 : memref<100xi32, #tpu.memory_space<vmem>>) semaphore(%arg17 : memref<!tpu.dma_semaphore, #tpu.memory_space<semaphore_mem>>)
    %dma_wait3A_159 = arith.constant 195 : i32
    %dma_wait3A_160 = arith.constant 0 : i32
    %dma_wait3A_161 = tpu.memref_slice %arg7[%dma_wait3A_159, %dma_wait3A_160] : memref<200x100xi32, #tpu.memory_space<vmem>> -> memref<1x100xi32, #tpu.memory_space<vmem>>
    %dma_wait3A_162 = tpu.memref_squeeze %dma_wait3A_161 : memref<1x100xi32, #tpu.memory_space<vmem>> -> memref<100xi32, #tpu.memory_space<vmem>>
    %dma_wait3A_163 = arith.constant 0 : i32
    %dma_wait3A_164 = arith.constant 0 : i32
    %dma_wait3A_165 = tpu.memref_slice %arg4[%arg0, %dma_wait3A_163, %dma_wait3A_164] : memref<2x10000x64xf32, #tpu.memory_space<hbm>> -> memref<1x10000x64xf32, #tpu.memory_space<hbm>>
    %dma_wait3A_166 = tpu.memref_squeeze %dma_wait3A_165 : memref<1x10000x64xf32, #tpu.memory_space<hbm>> -> memref<10000x64xf32, #tpu.memory_space<hbm>>
    %dma_wait3A_167 = arith.constant 0 : i32
    %dma_wait3A_168 = arith.constant 0 : i32
    %dma_wait3A_169 = tpu.memref_slice %dma_wait3A_166[%dma_wait3A_167, %dma_wait3A_168] : memref<10000x64xf32, #tpu.memory_space<hbm>> -> memref<10000x64xf32, #tpu.memory_space<hbm>>
    tpu.wait_indirect_dma semaphore(%arg20 : memref<!tpu.dma_semaphore, #tpu.memory_space<semaphore_mem>>) src(%dma_wait3A_169 : memref<10000x64xf32, #tpu.memory_space<hbm>>) dst(%arg12 : memref<100x64xf32, #tpu.memory_space<vmem>>)
    %dma_start3A_170 = arith.constant 195 : i32
    %dma_start3A_171 = arith.constant 0 : i32
    %dma_start3A_172 = tpu.memref_slice %arg8[%dma_start3A_170, %dma_start3A_171] : memref<200x100xi32, #tpu.memory_space<vmem>> -> memref<1x100xi32, #tpu.memory_space<vmem>>
    %dma_start3A_173 = tpu.memref_squeeze %dma_start3A_172 : memref<1x100xi32, #tpu.memory_space<vmem>> -> memref<100xi32, #tpu.memory_space<vmem>>
    %dma_start3A_174 = arith.constant 0 : i32
    %dma_start3A_175 = arith.constant 0 : i32
    %dma_start3A_176 = tpu.memref_slice %arg16[%dma_start3A_174, %dma_start3A_175] : memref<10240x64xf32, #tpu.memory_space<vmem_shared>> -> memref<10240x64xf32, #tpu.memory_space<vmem_shared>>
    tpu.enqueue_indirect_dma source(%arg12 : memref<100x64xf32, #tpu.memory_space<vmem>>) target(%dma_start3A_176 : memref<10240x64xf32, #tpu.memory_space<vmem_shared>>) offsets(%dma_start3A_173 : memref<100xi32, #tpu.memory_space<vmem>>) semaphore(%arg26 : memref<!tpu.dma_semaphore, #tpu.memory_space<semaphore_mem>>) {add = true}
    %dma_wait3A_177 = arith.constant 193 : i32
    %dma_wait3A_178 = arith.constant 0 : i32
    %dma_wait3A_179 = tpu.memref_slice %arg8[%dma_wait3A_177, %dma_wait3A_178] : memref<200x100xi32, #tpu.memory_space<vmem>> -> memref<1x100xi32, #tpu.memory_space<vmem>>
    %dma_wait3A_180 = tpu.memref_squeeze %dma_wait3A_179 : memref<1x100xi32, #tpu.memory_space<vmem>> -> memref<100xi32, #tpu.memory_space<vmem>>
    %dma_wait3A_181 = arith.constant 0 : i32
    %dma_wait3A_182 = arith.constant 0 : i32
    %dma_wait3A_183 = tpu.memref_slice %arg16[%dma_wait3A_181, %dma_wait3A_182] : memref<10240x64xf32, #tpu.memory_space<vmem_shared>> -> memref<10240x64xf32, #tpu.memory_space<vmem_shared>>
    tpu.wait_indirect_dma semaphore(%arg24 : memref<!tpu.dma_semaphore, #tpu.memory_space<semaphore_mem>>) src(%arg10 : memref<100x64xf32, #tpu.memory_space<vmem>>) dst(%dma_wait3A_183 : memref<10240x64xf32, #tpu.memory_space<vmem_shared>>)
    %dma_start3A_184 = arith.constant 199 : i32
    %dma_start3A_185 = arith.constant 0 : i32
    %dma_start3A_186 = tpu.memref_slice %arg7[%dma_start3A_184, %dma_start3A_185] : memref<200x100xi32, #tpu.memory_space<vmem>> -> memref<1x100xi32, #tpu.memory_space<vmem>>
    %dma_start3A_187 = tpu.memref_squeeze %dma_start3A_186 : memref<1x100xi32, #tpu.memory_space<vmem>> -> memref<100xi32, #tpu.memory_space<vmem>>
    %dma_start3A_188 = arith.constant 0 : i32
    %dma_start3A_189 = arith.constant 0 : i32
    %dma_start3A_190 = tpu.memref_slice %arg4[%arg0, %dma_start3A_188, %dma_start3A_189] : memref<2x10000x64xf32, #tpu.memory_space<hbm>> -> memref<1x10000x64xf32, #tpu.memory_space<hbm>>
    %dma_start3A_191 = tpu.memref_squeeze %dma_start3A_190 : memref<1x10000x64xf32, #tpu.memory_space<hbm>> -> memref<10000x64xf32, #tpu.memory_space<hbm>>
    %dma_start3A_192 = arith.constant 0 : i32
    %dma_start3A_193 = arith.constant 0 : i32
    %dma_start3A_194 = tpu.memref_slice %dma_start3A_191[%dma_start3A_192, %dma_start3A_193] : memref<10000x64xf32, #tpu.memory_space<hbm>> -> memref<10000x64xf32, #tpu.memory_space<hbm>>
    tpu.enqueue_indirect_dma source(%dma_start3A_194 : memref<10000x64xf32, #tpu.memory_space<hbm>>) target(%arg10 : memref<100x64xf32, #tpu.memory_space<vmem>>) offsets(%dma_start3A_187 : memref<100xi32, #tpu.memory_space<vmem>>) semaphore(%arg18 : memref<!tpu.dma_semaphore, #tpu.memory_space<semaphore_mem>>)
    %dma_wait3A_195 = arith.constant 196 : i32
    %dma_wait3A_196 = arith.constant 0 : i32
    %dma_wait3A_197 = tpu.memref_slice %arg7[%dma_wait3A_195, %dma_wait3A_196] : memref<200x100xi32, #tpu.memory_space<vmem>> -> memref<1x100xi32, #tpu.memory_space<vmem>>
    %dma_wait3A_198 = tpu.memref_squeeze %dma_wait3A_197 : memref<1x100xi32, #tpu.memory_space<vmem>> -> memref<100xi32, #tpu.memory_space<vmem>>
    %dma_wait3A_199 = arith.constant 0 : i32
    %dma_wait3A_200 = arith.constant 0 : i32
    %dma_wait3A_201 = tpu.memref_slice %arg4[%arg0, %dma_wait3A_199, %dma_wait3A_200] : memref<2x10000x64xf32, #tpu.memory_space<hbm>> -> memref<1x10000x64xf32, #tpu.memory_space<hbm>>
    %dma_wait3A_202 = tpu.memref_squeeze %dma_wait3A_201 : memref<1x10000x64xf32, #tpu.memory_space<hbm>> -> memref<10000x64xf32, #tpu.memory_space<hbm>>
    %dma_wait3A_203 = arith.constant 0 : i32
    %dma_wait3A_204 = arith.constant 0 : i32
    %dma_wait3A_205 = tpu.memref_slice %dma_wait3A_202[%dma_wait3A_203, %dma_wait3A_204] : memref<10000x64xf32, #tpu.memory_space<hbm>> -> memref<10000x64xf32, #tpu.memory_space<hbm>>
    tpu.wait_indirect_dma semaphore(%arg21 : memref<!tpu.dma_semaphore, #tpu.memory_space<semaphore_mem>>) src(%dma_wait3A_205 : memref<10000x64xf32, #tpu.memory_space<hbm>>) dst(%arg13 : memref<100x64xf32, #tpu.memory_space<vmem>>)
    %dma_start3A_206 = arith.constant 196 : i32
    %dma_start3A_207 = arith.constant 0 : i32
    %dma_start3A_208 = tpu.memref_slice %arg8[%dma_start3A_206, %dma_start3A_207] : memref<200x100xi32, #tpu.memory_space<vmem>> -> memref<1x100xi32, #tpu.memory_space<vmem>>
    %dma_start3A_209 = tpu.memref_squeeze %dma_start3A_208 : memref<1x100xi32, #tpu.memory_space<vmem>> -> memref<100xi32, #tpu.memory_space<vmem>>
    %dma_start3A_210 = arith.constant 0 : i32
    %dma_start3A_211 = arith.constant 0 : i32
    %dma_start3A_212 = tpu.memref_slice %arg16[%dma_start3A_210, %dma_start3A_211] : memref<10240x64xf32, #tpu.memory_space<vmem_shared>> -> memref<10240x64xf32, #tpu.memory_space<vmem_shared>>
    tpu.enqueue_indirect_dma source(%arg13 : memref<100x64xf32, #tpu.memory_space<vmem>>) target(%dma_start3A_212 : memref<10240x64xf32, #tpu.memory_space<vmem_shared>>) offsets(%dma_start3A_209 : memref<100xi32, #tpu.memory_space<vmem>>) semaphore(%arg27 : memref<!tpu.dma_semaphore, #tpu.memory_space<semaphore_mem>>) {add = true}
    %dma_wait3A_213 = arith.constant 194 : i32
    %dma_wait3A_214 = arith.constant 0 : i32
    %dma_wait3A_215 = tpu.memref_slice %arg8[%dma_wait3A_213, %dma_wait3A_214] : memref<200x100xi32, #tpu.memory_space<vmem>> -> memref<1x100xi32, #tpu.memory_space<vmem>>
    %dma_wait3A_216 = tpu.memref_squeeze %dma_wait3A_215 : memref<1x100xi32, #tpu.memory_space<vmem>> -> memref<100xi32, #tpu.memory_space<vmem>>
    %dma_wait3A_217 = arith.constant 0 : i32
    %dma_wait3A_218 = arith.constant 0 : i32
    %dma_wait3A_219 = tpu.memref_slice %arg16[%dma_wait3A_217, %dma_wait3A_218] : memref<10240x64xf32, #tpu.memory_space<vmem_shared>> -> memref<10240x64xf32, #tpu.memory_space<vmem_shared>>
    tpu.wait_indirect_dma semaphore(%arg25 : memref<!tpu.dma_semaphore, #tpu.memory_space<semaphore_mem>>) src(%arg11 : memref<100x64xf32, #tpu.memory_space<vmem>>) dst(%dma_wait3A_219 : memref<10240x64xf32, #tpu.memory_space<vmem_shared>>)
    %dma_wait3A_220 = arith.constant 197 : i32
    %dma_wait3A_221 = arith.constant 0 : i32
    %dma_wait3A_222 = tpu.memref_slice %arg7[%dma_wait3A_220, %dma_wait3A_221] : memref<200x100xi32, #tpu.memory_space<vmem>> -> memref<1x100xi32, #tpu.memory_space<vmem>>
    %dma_wait3A_223 = tpu.memref_squeeze %dma_wait3A_222 : memref<1x100xi32, #tpu.memory_space<vmem>> -> memref<100xi32, #tpu.memory_space<vmem>>
    %dma_wait3A_224 = arith.constant 0 : i32
    %dma_wait3A_225 = arith.constant 0 : i32
    %dma_wait3A_226 = tpu.memref_slice %arg4[%arg0, %dma_wait3A_224, %dma_wait3A_225] : memref<2x10000x64xf32, #tpu.memory_space<hbm>> -> memref<1x10000x64xf32, #tpu.memory_space<hbm>>
    %dma_wait3A_227 = tpu.memref_squeeze %dma_wait3A_226 : memref<1x10000x64xf32, #tpu.memory_space<hbm>> -> memref<10000x64xf32, #tpu.memory_space<hbm>>
    %dma_wait3A_228 = arith.constant 0 : i32
    %dma_wait3A_229 = arith.constant 0 : i32
    %dma_wait3A_230 = tpu.memref_slice %dma_wait3A_227[%dma_wait3A_228, %dma_wait3A_229] : memref<10000x64xf32, #tpu.memory_space<hbm>> -> memref<10000x64xf32, #tpu.memory_space<hbm>>
    tpu.wait_indirect_dma semaphore(%arg22 : memref<!tpu.dma_semaphore, #tpu.memory_space<semaphore_mem>>) src(%dma_wait3A_230 : memref<10000x64xf32, #tpu.memory_space<hbm>>) dst(%arg14 : memref<100x64xf32, #tpu.memory_space<vmem>>)
    %dma_start3A_231 = arith.constant 197 : i32
    %dma_start3A_232 = arith.constant 0 : i32
    %dma_start3A_233 = tpu.memref_slice %arg8[%dma_start3A_231, %dma_start3A_232] : memref<200x100xi32, #tpu.memory_space<vmem>> -> memref<1x100xi32, #tpu.memory_space<vmem>>
    %dma_start3A_234 = tpu.memref_squeeze %dma_start3A_233 : memref<1x100xi32, #tpu.memory_space<vmem>> -> memref<100xi32, #tpu.memory_space<vmem>>
    %dma_start3A_235 = arith.constant 0 : i32
    %dma_start3A_236 = arith.constant 0 : i32
    %dma_start3A_237 = tpu.memref_slice %arg16[%dma_start3A_235, %dma_start3A_236] : memref<10240x64xf32, #tpu.memory_space<vmem_shared>> -> memref<10240x64xf32, #tpu.memory_space<vmem_shared>>
    tpu.enqueue_indirect_dma source(%arg14 : memref<100x64xf32, #tpu.memory_space<vmem>>) target(%dma_start3A_237 : memref<10240x64xf32, #tpu.memory_space<vmem_shared>>) offsets(%dma_start3A_234 : memref<100xi32, #tpu.memory_space<vmem>>) semaphore(%arg28 : memref<!tpu.dma_semaphore, #tpu.memory_space<semaphore_mem>>) {add = true}
    %dma_wait3A_238 = arith.constant 195 : i32
    %dma_wait3A_239 = arith.constant 0 : i32
    %dma_wait3A_240 = tpu.memref_slice %arg8[%dma_wait3A_238, %dma_wait3A_239] : memref<200x100xi32, #tpu.memory_space<vmem>> -> memref<1x100xi32, #tpu.memory_space<vmem>>
    %dma_wait3A_241 = tpu.memref_squeeze %dma_wait3A_240 : memref<1x100xi32, #tpu.memory_space<vmem>> -> memref<100xi32, #tpu.memory_space<vmem>>
    %dma_wait3A_242 = arith.constant 0 : i32
    %dma_wait3A_243 = arith.constant 0 : i32
    %dma_wait3A_244 = tpu.memref_slice %arg16[%dma_wait3A_242, %dma_wait3A_243] : memref<10240x64xf32, #tpu.memory_space<vmem_shared>> -> memref<10240x64xf32, #tpu.memory_space<vmem_shared>>
    tpu.wait_indirect_dma semaphore(%arg26 : memref<!tpu.dma_semaphore, #tpu.memory_space<semaphore_mem>>) src(%arg12 : memref<100x64xf32, #tpu.memory_space<vmem>>) dst(%dma_wait3A_244 : memref<10240x64xf32, #tpu.memory_space<vmem_shared>>)
    %dma_wait3A_245 = arith.constant 198 : i32
    %dma_wait3A_246 = arith.constant 0 : i32
    %dma_wait3A_247 = tpu.memref_slice %arg7[%dma_wait3A_245, %dma_wait3A_246] : memref<200x100xi32, #tpu.memory_space<vmem>> -> memref<1x100xi32, #tpu.memory_space<vmem>>
    %dma_wait3A_248 = tpu.memref_squeeze %dma_wait3A_247 : memref<1x100xi32, #tpu.memory_space<vmem>> -> memref<100xi32, #tpu.memory_space<vmem>>
    %dma_wait3A_249 = arith.constant 0 : i32
    %dma_wait3A_250 = arith.constant 0 : i32
    %dma_wait3A_251 = tpu.memref_slice %arg4[%arg0, %dma_wait3A_249, %dma_wait3A_250] : memref<2x10000x64xf32, #tpu.memory_space<hbm>> -> memref<1x10000x64xf32, #tpu.memory_space<hbm>>
    %dma_wait3A_252 = tpu.memref_squeeze %dma_wait3A_251 : memref<1x10000x64xf32, #tpu.memory_space<hbm>> -> memref<10000x64xf32, #tpu.memory_space<hbm>>
    %dma_wait3A_253 = arith.constant 0 : i32
    %dma_wait3A_254 = arith.constant 0 : i32
    %dma_wait3A_255 = tpu.memref_slice %dma_wait3A_252[%dma_wait3A_253, %dma_wait3A_254] : memref<10000x64xf32, #tpu.memory_space<hbm>> -> memref<10000x64xf32, #tpu.memory_space<hbm>>
    tpu.wait_indirect_dma semaphore(%arg17 : memref<!tpu.dma_semaphore, #tpu.memory_space<semaphore_mem>>) src(%dma_wait3A_255 : memref<10000x64xf32, #tpu.memory_space<hbm>>) dst(%arg9 : memref<100x64xf32, #tpu.memory_space<vmem>>)
    %dma_start3A_256 = arith.constant 198 : i32
    %dma_start3A_257 = arith.constant 0 : i32
    %dma_start3A_258 = tpu.memref_slice %arg8[%dma_start3A_256, %dma_start3A_257] : memref<200x100xi32, #tpu.memory_space<vmem>> -> memref<1x100xi32, #tpu.memory_space<vmem>>
    %dma_start3A_259 = tpu.memref_squeeze %dma_start3A_258 : memref<1x100xi32, #tpu.memory_space<vmem>> -> memref<100xi32, #tpu.memory_space<vmem>>
    %dma_start3A_260 = arith.constant 0 : i32
    %dma_start3A_261 = arith.constant 0 : i32
    %dma_start3A_262 = tpu.memref_slice %arg16[%dma_start3A_260, %dma_start3A_261] : memref<10240x64xf32, #tpu.memory_space<vmem_shared>> -> memref<10240x64xf32, #tpu.memory_space<vmem_shared>>
    tpu.enqueue_indirect_dma source(%arg9 : memref<100x64xf32, #tpu.memory_space<vmem>>) target(%dma_start3A_262 : memref<10240x64xf32, #tpu.memory_space<vmem_shared>>) offsets(%dma_start3A_259 : memref<100xi32, #tpu.memory_space<vmem>>) semaphore(%arg23 : memref<!tpu.dma_semaphore, #tpu.memory_space<semaphore_mem>>) {add = true}
    %dma_wait3A_263 = arith.constant 196 : i32
    %dma_wait3A_264 = arith.constant 0 : i32
    %dma_wait3A_265 = tpu.memref_slice %arg8[%dma_wait3A_263, %dma_wait3A_264] : memref<200x100xi32, #tpu.memory_space<vmem>> -> memref<1x100xi32, #tpu.memory_space<vmem>>
    %dma_wait3A_266 = tpu.memref_squeeze %dma_wait3A_265 : memref<1x100xi32, #tpu.memory_space<vmem>> -> memref<100xi32, #tpu.memory_space<vmem>>
    %dma_wait3A_267 = arith.constant 0 : i32
    %dma_wait3A_268 = arith.constant 0 : i32
    %dma_wait3A_269 = tpu.memref_slice %arg16[%dma_wait3A_267, %dma_wait3A_268] : memref<10240x64xf32, #tpu.memory_space<vmem_shared>> -> memref<10240x64xf32, #tpu.memory_space<vmem_shared>>
    tpu.wait_indirect_dma semaphore(%arg27 : memref<!tpu.dma_semaphore, #tpu.memory_space<semaphore_mem>>) src(%arg13 : memref<100x64xf32, #tpu.memory_space<vmem>>) dst(%dma_wait3A_269 : memref<10240x64xf32, #tpu.memory_space<vmem_shared>>)
    %dma_wait3A_270 = arith.constant 199 : i32
    %dma_wait3A_271 = arith.constant 0 : i32
    %dma_wait3A_272 = tpu.memref_slice %arg7[%dma_wait3A_270, %dma_wait3A_271] : memref<200x100xi32, #tpu.memory_space<vmem>> -> memref<1x100xi32, #tpu.memory_space<vmem>>
    %dma_wait3A_273 = tpu.memref_squeeze %dma_wait3A_272 : memref<1x100xi32, #tpu.memory_space<vmem>> -> memref<100xi32, #tpu.memory_space<vmem>>
    %dma_wait3A_274 = arith.constant 0 : i32
    %dma_wait3A_275 = arith.constant 0 : i32
    %dma_wait3A_276 = tpu.memref_slice %arg4[%arg0, %dma_wait3A_274, %dma_wait3A_275] : memref<2x10000x64xf32, #tpu.memory_space<hbm>> -> memref<1x10000x64xf32, #tpu.memory_space<hbm>>
    %dma_wait3A_277 = tpu.memref_squeeze %dma_wait3A_276 : memref<1x10000x64xf32, #tpu.memory_space<hbm>> -> memref<10000x64xf32, #tpu.memory_space<hbm>>
    %dma_wait3A_278 = arith.constant 0 : i32
    %dma_wait3A_279 = arith.constant 0 : i32
    %dma_wait3A_280 = tpu.memref_slice %dma_wait3A_277[%dma_wait3A_278, %dma_wait3A_279] : memref<10000x64xf32, #tpu.memory_space<hbm>> -> memref<10000x64xf32, #tpu.memory_space<hbm>>
    tpu.wait_indirect_dma semaphore(%arg18 : memref<!tpu.dma_semaphore, #tpu.memory_space<semaphore_mem>>) src(%dma_wait3A_280 : memref<10000x64xf32, #tpu.memory_space<hbm>>) dst(%arg10 : memref<100x64xf32, #tpu.memory_space<vmem>>)
    %dma_start3A_281 = arith.constant 199 : i32
    %dma_start3A_282 = arith.constant 0 : i32
    %dma_start3A_283 = tpu.memref_slice %arg8[%dma_start3A_281, %dma_start3A_282] : memref<200x100xi32, #tpu.memory_space<vmem>> -> memref<1x100xi32, #tpu.memory_space<vmem>>
    %dma_start3A_284 = tpu.memref_squeeze %dma_start3A_283 : memref<1x100xi32, #tpu.memory_space<vmem>> -> memref<100xi32, #tpu.memory_space<vmem>>
    %dma_start3A_285 = arith.constant 0 : i32
    %dma_start3A_286 = arith.constant 0 : i32
    %dma_start3A_287 = tpu.memref_slice %arg16[%dma_start3A_285, %dma_start3A_286] : memref<10240x64xf32, #tpu.memory_space<vmem_shared>> -> memref<10240x64xf32, #tpu.memory_space<vmem_shared>>
    tpu.enqueue_indirect_dma source(%arg10 : memref<100x64xf32, #tpu.memory_space<vmem>>) target(%dma_start3A_287 : memref<10240x64xf32, #tpu.memory_space<vmem_shared>>) offsets(%dma_start3A_284 : memref<100xi32, #tpu.memory_space<vmem>>) semaphore(%arg24 : memref<!tpu.dma_semaphore, #tpu.memory_space<semaphore_mem>>) {add = true}
    %dma_wait3A_288 = arith.constant 197 : i32
    %dma_wait3A_289 = arith.constant 0 : i32
    %dma_wait3A_290 = tpu.memref_slice %arg8[%dma_wait3A_288, %dma_wait3A_289] : memref<200x100xi32, #tpu.memory_space<vmem>> -> memref<1x100xi32, #tpu.memory_space<vmem>>
    %dma_wait3A_291 = tpu.memref_squeeze %dma_wait3A_290 : memref<1x100xi32, #tpu.memory_space<vmem>> -> memref<100xi32, #tpu.memory_space<vmem>>
    %dma_wait3A_292 = arith.constant 0 : i32
    %dma_wait3A_293 = arith.constant 0 : i32
    %dma_wait3A_294 = tpu.memref_slice %arg16[%dma_wait3A_292, %dma_wait3A_293] : memref<10240x64xf32, #tpu.memory_space<vmem_shared>> -> memref<10240x64xf32, #tpu.memory_space<vmem_shared>>
    tpu.wait_indirect_dma semaphore(%arg28 : memref<!tpu.dma_semaphore, #tpu.memory_space<semaphore_mem>>) src(%arg14 : memref<100x64xf32, #tpu.memory_space<vmem>>) dst(%dma_wait3A_294 : memref<10240x64xf32, #tpu.memory_space<vmem_shared>>)
    %dma_wait3A_295 = arith.constant 198 : i32
    %dma_wait3A_296 = arith.constant 0 : i32
    %dma_wait3A_297 = tpu.memref_slice %arg8[%dma_wait3A_295, %dma_wait3A_296] : memref<200x100xi32, #tpu.memory_space<vmem>> -> memref<1x100xi32, #tpu.memory_space<vmem>>
    %dma_wait3A_298 = tpu.memref_squeeze %dma_wait3A_297 : memref<1x100xi32, #tpu.memory_space<vmem>> -> memref<100xi32, #tpu.memory_space<vmem>>
    %dma_wait3A_299 = arith.constant 0 : i32
    %dma_wait3A_300 = arith.constant 0 : i32
    %dma_wait3A_301 = tpu.memref_slice %arg16[%dma_wait3A_299, %dma_wait3A_300] : memref<10240x64xf32, #tpu.memory_space<vmem_shared>> -> memref<10240x64xf32, #tpu.memory_space<vmem_shared>>
    tpu.wait_indirect_dma semaphore(%arg23 : memref<!tpu.dma_semaphore, #tpu.memory_space<semaphore_mem>>) src(%arg9 : memref<100x64xf32, #tpu.memory_space<vmem>>) dst(%dma_wait3A_301 : memref<10240x64xf32, #tpu.memory_space<vmem_shared>>)
    %dma_wait3A_302 = arith.constant 199 : i32
    %dma_wait3A_303 = arith.constant 0 : i32
    %dma_wait3A_304 = tpu.memref_slice %arg8[%dma_wait3A_302, %dma_wait3A_303] : memref<200x100xi32, #tpu.memory_space<vmem>> -> memref<1x100xi32, #tpu.memory_space<vmem>>
    %dma_wait3A_305 = tpu.memref_squeeze %dma_wait3A_304 : memref<1x100xi32, #tpu.memory_space<vmem>> -> memref<100xi32, #tpu.memory_space<vmem>>
    %dma_wait3A_306 = arith.constant 0 : i32
    %dma_wait3A_307 = arith.constant 0 : i32
    %dma_wait3A_308 = tpu.memref_slice %arg16[%dma_wait3A_306, %dma_wait3A_307] : memref<10240x64xf32, #tpu.memory_space<vmem_shared>> -> memref<10240x64xf32, #tpu.memory_space<vmem_shared>>
    tpu.wait_indirect_dma semaphore(%arg24 : memref<!tpu.dma_semaphore, #tpu.memory_space<semaphore_mem>>) src(%arg10 : memref<100x64xf32, #tpu.memory_space<vmem>>) dst(%dma_wait3A_308 : memref<10240x64xf32, #tpu.memory_space<vmem_shared>>)
    %barrier3A_309 = arith.constant 0 : index
    tpu.barrier barrier_id(%barrier3A_309)
    %mul3A_310 = arith.constant 640 : i32
    %mul3A_311 = arith.muli %arg1, %mul3A_310 : i32
    "tpu.region"() ({
      %run_scoped3A = tpu.sem_alloc : memref<!tpu.dma_semaphore, #tpu.memory_space<semaphore_mem>>
      %dma_start3A_312 = arith.constant 0 : i32
      %dma_start3A_313 = tpu.memref_slice %arg6[%arg0, %mul3A_311, %dma_start3A_312] : memref<2x10240x64xf32, #tpu.memory_space<hbm>> -> memref<1x640x64xf32, #tpu.memory_space<hbm>>
      %dma_start3A_314 = tpu.memref_squeeze %dma_start3A_313 : memref<1x640x64xf32, #tpu.memory_space<hbm>> -> memref<640x64xf32, #tpu.memory_space<hbm>>
      %dma_start3A_315 = arith.constant 0 : i32
      %dma_start3A_316 = tpu.memref_slice %arg16[%mul3A_311, %dma_start3A_315] : memref<10240x64xf32, #tpu.memory_space<vmem_shared>> -> memref<640x64xf32, #tpu.memory_space<vmem_shared>>
      tpu.enqueue_dma source(%dma_start3A_316 : memref<640x64xf32, #tpu.memory_space<vmem_shared>>) target(%dma_start3A_314 : memref<640x64xf32, #tpu.memory_space<hbm>>) target_semaphore(%run_scoped3A : memref<!tpu.dma_semaphore, #tpu.memory_space<semaphore_mem>>)
      %dma_wait3A_317 = arith.constant 0 : i32
      %dma_wait3A_318 = tpu.memref_slice %arg6[%arg0, %mul3A_311, %dma_wait3A_317] : memref<2x10240x64xf32, #tpu.memory_space<hbm>> -> memref<1x640x64xf32, #tpu.memory_space<hbm>>
      %dma_wait3A_319 = tpu.memref_squeeze %dma_wait3A_318 : memref<1x640x64xf32, #tpu.memory_space<hbm>> -> memref<640x64xf32, #tpu.memory_space<hbm>>
      %dma_wait3A_320 = arith.constant 0 : i32
      %dma_wait3A_321 = tpu.memref_slice %arg16[%mul3A_311, %dma_wait3A_320] : memref<10240x64xf32, #tpu.memory_space<vmem_shared>> -> memref<640x64xf32, #tpu.memory_space<vmem_shared>>
      tpu.wait_dma2 semaphore(%run_scoped3A : memref<!tpu.dma_semaphore, #tpu.memory_space<semaphore_mem>>) src(%dma_wait3A_321 : memref<640x64xf32, #tpu.memory_space<vmem_shared>>) dst(%dma_wait3A_319 : memref<640x64xf32, #tpu.memory_space<hbm>>)
      tpu.yield
    }) : () -> ()
    return
  }
}

module attributes {stable_mosaic.version = 14 : i64} {
  func.func @_tc_mm_body(%arg0: i32, %arg1: memref<2000x128xf32, #tpu.memory_space<vmem>>, %arg2: memref<128x128xf32, #tpu.memory_space<vmem>>, %arg3: memref<2000x128xf32, #tpu.memory_space<vmem>>) attributes {dimension_semantics = [#tpu.dimension_semantics<arbitrary>], iteration_bounds = array<i64: 5>, scalar_prefetch = 0 : i64, scratch_operands = 0 : i64, tpu.core_type = #tpu.core_type<tc>, window_params = [{transform_indices = @transform_0, window_bounds = array<i64: 2000, 128>}, {pipeline_mode = #tpu.pipeline_mode<synchronous>, transform_indices = @transform_1, window_bounds = array<i64: 128, 128>}, {transform_indices = @transform_2, window_bounds = array<i64: 2000, 128>}]} {
    %get3A = arith.constant 0 : index
    %get3A_0 = arith.constant 0 : index
    %get3A_1 = vector.load %arg1[%get3A, %get3A_0] : memref<2000x128xf32, #tpu.memory_space<vmem>>, vector<2000x128xf32>
    %get3A_2 = arith.constant 0 : index
    %get3A_3 = arith.constant 0 : index
    %get3A_4 = vector.load %arg2[%get3A_2, %get3A_3] : memref<128x128xf32, #tpu.memory_space<vmem>>, vector<128x128xf32>
    %dot_general3A = arith.constant dense<0.000000e+00> : vector<2000x128xf32>
    %dot_general3A_5 = tpu.matmul %get3A_1, %get3A_4, %dot_general3A {dimension_numbers = #tpu.dot_dimension_numbers<[1], [0], [0], [1], [0, 0, 1, 1], [], []>, transpose_lhs_hint = false} : vector<2000x128xf32>, vector<128x128xf32>, vector<2000x128xf32> -> vector<2000x128xf32>
    %swap3A = arith.constant 0 : index
    %swap3A_6 = arith.constant 0 : index
    %swap3A_7 = vector.load %arg3[%swap3A, %swap3A_6] : memref<2000x128xf32, #tpu.memory_space<vmem>>, vector<2000x128xf32>
    tpu.vector_store %arg3[%swap3A, %swap3A_6], %dot_general3A_5 {strides = array<i32>} : memref<2000x128xf32, #tpu.memory_space<vmem>>, vector<2000x128xf32>,
    return
  }
  func.func @transform_0(%arg0: i32) -> (i32, i32) {
    %c0_i32 = arith.constant 0 : i32
    %c0_i32_0 = arith.constant 0 : i32
    return %arg0, %c0_i32 : i32, i32
  }
  func.func @transform_1(%arg0: i32) -> (i32, i32) {
    %c0_i32 = arith.constant 0 : i32
    %c0_i32_0 = arith.constant 0 : i32
    %c0_i32_1 = arith.constant 0 : i32
    return %c0_i32, %c0_i32_0 : i32, i32
  }
  func.func @transform_2(%arg0: i32) -> (i32, i32) {
    %c0_i32 = arith.constant 0 : i32
    %c0_i32_0 = arith.constant 0 : i32
    return %arg0, %c0_i32 : i32, i32
  }
}

module attributes {stable_mosaic.version = 14 : i64} {
  func.func @_tc_dpk_body(%arg0: i32, %arg1: memref<2x2000x16xf32, #tpu.memory_space<vmem>>, %arg2: memref<1000x128xf32, #tpu.memory_space<vmem>>) attributes {dimension_semantics = [#tpu.dimension_semantics<arbitrary>], iteration_bounds = array<i64: 5>, scalar_prefetch = 0 : i64, scratch_operands = 0 : i64, tpu.core_type = #tpu.core_type<tc>, window_params = [{transform_indices = @transform_0, window_bounds = array<i64: 2, 2000, 16>}, {transform_indices = @transform_1, window_bounds = array<i64: 1000, 128>}]} {
    %get3A = arith.constant 0 : index
    %get3A_0 = arith.constant 0 : index
    %get3A_1 = arith.constant 0 : index
    %get3A_2 = vector.load %arg1[%get3A, %get3A_0, %get3A_1] : memref<2x2000x16xf32, #tpu.memory_space<vmem>>, vector<1x2000x16xf32>
    %get3A_3 = vector.shape_cast %get3A_2 : vector<1x2000x16xf32> to vector<2000x16xf32>
    %get3A_4 = arith.constant 1 : index
    %get3A_5 = arith.constant 0 : index
    %get3A_6 = arith.constant 0 : index
    %get3A_7 = vector.load %arg1[%get3A_4, %get3A_5, %get3A_6] : memref<2x2000x16xf32, #tpu.memory_space<vmem>>, vector<1x2000x16xf32>
    %get3A_8 = vector.shape_cast %get3A_7 : vector<1x2000x16xf32> to vector<2000x16xf32>
    %add3A = arith.addf %get3A_3, %get3A_8 : vector<2000x16xf32>
    %add3A_9 = arith.constant 1.000000e+00 : f32
    %add3A_10 = vector.broadcast %add3A_9 : f32 to vector<2000x16xf32>
    %add3A_11 = arith.addf %add3A, %add3A_10 : vector<2000x16xf32>
    %rsqrt3A = math.rsqrt %add3A_11 : vector<2000x16xf32>
    %reshape3A = vector.shape_cast %rsqrt3A : vector<2000x16xf32> to vector<1000x2x16xf32>
    %slice3A = vector.extract_strided_slice %reshape3A {offsets = [0, 0, 0], sizes = [1000, 1, 16], strides = [1, 1, 1]} : vector<1000x2x16xf32> to vector<1000x1x16xf32>
    %squeeze3A = vector.shape_cast %slice3A : vector<1000x1x16xf32> to vector<1000x16xf32>
    %slice3A_12 = vector.extract_strided_slice %reshape3A {offsets = [0, 1, 0], sizes = [1000, 1, 16], strides = [1, 1, 1]} : vector<1000x2x16xf32> to vector<1000x1x16xf32>
    %squeeze3A_13 = vector.shape_cast %slice3A_12 : vector<1000x1x16xf32> to vector<1000x16xf32>
    %concatenate3A = tpu.concatenate %squeeze3A, %squeeze3A, %squeeze3A, %squeeze3A, %squeeze3A_13, %squeeze3A_13, %squeeze3A_13, %squeeze3A_13 in 1 : vector<1000x16xf32>, vector<1000x16xf32>, vector<1000x16xf32>, vector<1000x16xf32>, vector<1000x16xf32>, vector<1000x16xf32>, vector<1000x16xf32>, vector<1000x16xf32> -> vector<1000x128xf32>
    %swap3A = arith.constant 0 : index
    %swap3A_14 = arith.constant 0 : index
    %swap3A_15 = vector.load %arg2[%swap3A, %swap3A_14] : memref<1000x128xf32, #tpu.memory_space<vmem>>, vector<1000x128xf32>
    tpu.vector_store %arg2[%swap3A, %swap3A_14], %concatenate3A {strides = array<i32>} : memref<1000x128xf32, #tpu.memory_space<vmem>>, vector<1000x128xf32>,
    return
  }
  func.func @transform_0(%arg0: i32) -> (i32, i32, i32) {
    %c0_i32 = arith.constant 0 : i32
    %c0_i32_0 = arith.constant 0 : i32
    %c0_i32_1 = arith.constant 0 : i32
    return %c0_i32, %arg0, %c0_i32_0 : i32, i32, i32
  }
  func.func @transform_1(%arg0: i32) -> (i32, i32) {
    %c0_i32 = arith.constant 0 : i32
    %c0_i32_0 = arith.constant 0 : i32
    return %arg0, %c0_i32 : i32, i32
  }
}

module attributes {stable_mosaic.version = 14 : i64} {
  func.func @_tc_scale_body(%arg0: i32, %arg1: memref<2000x128xf32, #tpu.memory_space<vmem>>, %arg2: memref<1000x128xf32, #tpu.memory_space<vmem>>, %arg3: memref<2x1000x128xf32, #tpu.memory_space<vmem>>) attributes {dimension_semantics = [#tpu.dimension_semantics<arbitrary>], iteration_bounds = array<i64: 5>, scalar_prefetch = 0 : i64, scratch_operands = 0 : i64, tpu.core_type = #tpu.core_type<tc>, window_params = [{transform_indices = @transform_0, window_bounds = array<i64: 2000, 128>}, {transform_indices = @transform_1, window_bounds = array<i64: 1000, 128>}, {transform_indices = @transform_2, window_bounds = array<i64: 2, 1000, 128>}]} {
    %get3A = arith.constant 0 : index
    %get3A_0 = arith.constant 0 : index
    %get3A_1 = vector.load %arg2[%get3A, %get3A_0] : memref<1000x128xf32, #tpu.memory_space<vmem>>, vector<1000x128xf32>
    %slice3A = vector.extract_strided_slice %get3A_1 {offsets = [0, 0], sizes = [1000, 1], strides = [1, 1]} : vector<1000x128xf32> to vector<1000x1xf32>
    %slice3A_2 = vector.extract_strided_slice %get3A_1 {offsets = [0, 64], sizes = [1000, 1], strides = [1, 1]} : vector<1000x128xf32> to vector<1000x1xf32>
    %get3A_3 = arith.constant 0 : index
    %get3A_4 = arith.constant 0 : index
    %get3A_5 = vector.load %arg1[%get3A_3, %get3A_4] : memref<2000x128xf32, #tpu.memory_space<vmem>>, vector<2000x128xf32>
    %reshape3A = vector.shape_cast %get3A_5 : vector<2000x128xf32> to vector<1000x2x128xf32>
    %slice3A_6 = vector.extract_strided_slice %reshape3A {offsets = [0, 0, 0], sizes = [1000, 1, 128], strides = [1, 1, 1]} : vector<1000x2x128xf32> to vector<1000x1x128xf32>
    %squeeze3A = vector.shape_cast %slice3A_6 : vector<1000x1x128xf32> to vector<1000x128xf32>
    %mul3A = vector.broadcast %slice3A : vector<1000x1xf32> to vector<1000x128xf32>
    %mul3A_7 = arith.mulf %mul3A, %squeeze3A : vector<1000x128xf32>
    %slice3A_8 = vector.extract_strided_slice %reshape3A {offsets = [0, 1, 0], sizes = [1000, 1, 128], strides = [1, 1, 1]} : vector<1000x2x128xf32> to vector<1000x1x128xf32>
    %squeeze3A_9 = vector.shape_cast %slice3A_8 : vector<1000x1x128xf32> to vector<1000x128xf32>
    %mul3A_10 = vector.broadcast %slice3A_2 : vector<1000x1xf32> to vector<1000x128xf32>
    %mul3A_11 = arith.mulf %mul3A_10, %squeeze3A_9 : vector<1000x128xf32>
    %slice3A_12 = vector.extract_strided_slice %mul3A_7 {offsets = [0, 0], sizes = [1000, 64], strides = [1, 1]} : vector<1000x128xf32> to vector<1000x64xf32>
    %slice3A_13 = vector.extract_strided_slice %mul3A_11 {offsets = [0, 0], sizes = [1000, 64], strides = [1, 1]} : vector<1000x128xf32> to vector<1000x64xf32>
    %concatenate3A = tpu.concatenate %slice3A_12, %slice3A_13 in 1 : vector<1000x64xf32>, vector<1000x64xf32> -> vector<1000x128xf32>
    %swap3A = arith.constant 0 : index
    %swap3A_14 = arith.constant 0 : index
    %swap3A_15 = arith.constant 0 : index
    %swap3A_16 = vector.load %arg3[%swap3A, %swap3A_14, %swap3A_15] : memref<2x1000x128xf32, #tpu.memory_space<vmem>>, vector<1x1000x128xf32>
    %swap3A_17 = vector.shape_cast %swap3A_16 : vector<1x1000x128xf32> to vector<1000x128xf32>
    %swap3A_18 = vector.shape_cast %concatenate3A : vector<1000x128xf32> to vector<1x1000x128xf32>
    tpu.vector_store %arg3[%swap3A, %swap3A_14, %swap3A_15], %swap3A_18 {strides = array<i32>} : memref<2x1000x128xf32, #tpu.memory_space<vmem>>, vector<1x1000x128xf32>,
    %slice3A_19 = vector.extract_strided_slice %mul3A_7 {offsets = [0, 64], sizes = [1000, 64], strides = [1, 1]} : vector<1000x128xf32> to vector<1000x64xf32>
    %slice3A_20 = vector.extract_strided_slice %mul3A_11 {offsets = [0, 64], sizes = [1000, 64], strides = [1, 1]} : vector<1000x128xf32> to vector<1000x64xf32>
    %concatenate3A_21 = tpu.concatenate %slice3A_19, %slice3A_20 in 1 : vector<1000x64xf32>, vector<1000x64xf32> -> vector<1000x128xf32>
    %swap3A_22 = arith.constant 1 : index
    %swap3A_23 = arith.constant 0 : index
    %swap3A_24 = arith.constant 0 : index
    %swap3A_25 = vector.load %arg3[%swap3A_22, %swap3A_23, %swap3A_24] : memref<2x1000x128xf32, #tpu.memory_space<vmem>>, vector<1x1000x128xf32>
    %swap3A_26 = vector.shape_cast %swap3A_25 : vector<1x1000x128xf32> to vector<1000x128xf32>
    %swap3A_27 = vector.shape_cast %concatenate3A_21 : vector<1000x128xf32> to vector<1x1000x128xf32>
    tpu.vector_store %arg3[%swap3A_22, %swap3A_23, %swap3A_24], %swap3A_27 {strides = array<i32>} : memref<2x1000x128xf32, #tpu.memory_space<vmem>>, vector<1x1000x128xf32>,
    return
  }
  func.func @transform_0(%arg0: i32) -> (i32, i32) {
    %c0_i32 = arith.constant 0 : i32
    %c0_i32_0 = arith.constant 0 : i32
    return %arg0, %c0_i32 : i32, i32
  }
  func.func @transform_1(%arg0: i32) -> (i32, i32) {
    %c0_i32 = arith.constant 0 : i32
    %c0_i32_0 = arith.constant 0 : i32
    return %arg0, %c0_i32 : i32, i32
  }
  func.func @transform_2(%arg0: i32) -> (i32, i32, i32) {
    %c0_i32 = arith.constant 0 : i32
    %c0_i32_0 = arith.constant 0 : i32
    %c0_i32_1 = arith.constant 0 : i32
    return %c0_i32, %arg0, %c0_i32_0 : i32, i32, i32
  }
}

module attributes {stable_mosaic.version = 14 : i64} {
  func.func @_tc_mid_body(%arg0: i32, %arg1: memref<2x1000x128xf32, #tpu.memory_space<vmem>>, %arg2: memref<2x1000x128xf32, #tpu.memory_space<vmem>>, %arg3: memref<1000x128xf32, #tpu.memory_space<vmem>>, %arg4: memref<2x1x128xf32, #tpu.memory_space<vmem>>, %arg5: memref<128x128xf32, #tpu.memory_space<vmem>>, %arg6: memref<2x1000x128xf32, #tpu.memory_space<vmem>>, %arg7: memref<2x1000x128xf32, #tpu.memory_space<vmem>>) attributes {dimension_semantics = [#tpu.dimension_semantics<arbitrary>], iteration_bounds = array<i64: 5>, scalar_prefetch = 0 : i64, scratch_operands = 0 : i64, tpu.core_type = #tpu.core_type<tc>, window_params = [{transform_indices = @transform_0, window_bounds = array<i64: 2, 1000, 128>}, {transform_indices = @transform_1, window_bounds = array<i64: 2, 1000, 128>}, {transform_indices = @transform_2, window_bounds = array<i64: 1000, 128>}, {pipeline_mode = #tpu.pipeline_mode<synchronous>, transform_indices = @transform_3, window_bounds = array<i64: 2, 1, 128>}, {pipeline_mode = #tpu.pipeline_mode<synchronous>, transform_indices = @transform_4, window_bounds = array<i64: 128, 128>}, {transform_indices = @transform_5, window_bounds = array<i64: 2, 1000, 128>}, {transform_indices = @transform_6, window_bounds = array<i64: 2, 1000, 128>}]} {
    %get3A = arith.constant 0 : index
    %get3A_0 = arith.constant 0 : index
    %get3A_1 = vector.load %arg3[%get3A, %get3A_0] : memref<1000x128xf32, #tpu.memory_space<vmem>>, vector<1000x128xf32>
    %get3A_2 = arith.constant 0 : index
    %get3A_3 = arith.constant 0 : index
    %get3A_4 = arith.constant 0 : index
    %get3A_5 = vector.load %arg1[%get3A_2, %get3A_3, %get3A_4] : memref<2x1000x128xf32, #tpu.memory_space<vmem>>, vector<1x1000x128xf32>
    %get3A_6 = vector.shape_cast %get3A_5 : vector<1x1000x128xf32> to vector<1000x128xf32>
    %get3A_7 = arith.constant 0 : index
    %get3A_8 = arith.constant 0 : index
    %get3A_9 = arith.constant 0 : index
    %get3A_10 = vector.load %arg2[%get3A_7, %get3A_8, %get3A_9] : memref<2x1000x128xf32, #tpu.memory_space<vmem>>, vector<1x1000x128xf32>
    %get3A_11 = vector.shape_cast %get3A_10 : vector<1x1000x128xf32> to vector<1000x128xf32>
    %add3A = arith.addf %get3A_6, %get3A_11 : vector<1000x128xf32>
    %mul3A = arith.mulf %get3A_1, %add3A : vector<1000x128xf32>
    %get3A_12 = arith.constant 0 : index
    %get3A_13 = arith.constant 0 : index
    %get3A_14 = arith.constant 0 : index
    %get3A_15 = vector.load %arg4[%get3A_12, %get3A_13, %get3A_14] : memref<2x1x128xf32, #tpu.memory_space<vmem>>, vector<1x1x128xf32>
    %get3A_16 = vector.shape_cast %get3A_15 : vector<1x1x128xf32> to vector<1x128xf32>
    %add3A_17 = vector.broadcast %get3A_16 : vector<1x128xf32> to vector<1000x128xf32>
    %add3A_18 = arith.addf %mul3A, %add3A_17 : vector<1000x128xf32>
    %max3A = arith.constant 0.000000e+00 : f32
    %max3A_19 = vector.broadcast %max3A : f32 to vector<1000x128xf32>
    %max3A_20 = arith.maximumf %add3A_18, %max3A_19 : vector<1000x128xf32>
    %get3A_21 = arith.constant 1 : index
    %get3A_22 = arith.constant 0 : index
    %get3A_23 = arith.constant 0 : index
    %get3A_24 = vector.load %arg1[%get3A_21, %get3A_22, %get3A_23] : memref<2x1000x128xf32, #tpu.memory_space<vmem>>, vector<1x1000x128xf32>
    %get3A_25 = vector.shape_cast %get3A_24 : vector<1x1000x128xf32> to vector<1000x128xf32>
    %get3A_26 = arith.constant 1 : index
    %get3A_27 = arith.constant 0 : index
    %get3A_28 = arith.constant 0 : index
    %get3A_29 = vector.load %arg2[%get3A_26, %get3A_27, %get3A_28] : memref<2x1000x128xf32, #tpu.memory_space<vmem>>, vector<1x1000x128xf32>
    %get3A_30 = vector.shape_cast %get3A_29 : vector<1x1000x128xf32> to vector<1000x128xf32>
    %add3A_31 = arith.addf %get3A_25, %get3A_30 : vector<1000x128xf32>
    %mul3A_32 = arith.mulf %get3A_1, %add3A_31 : vector<1000x128xf32>
    %get3A_33 = arith.constant 1 : index
    %get3A_34 = arith.constant 0 : index
    %get3A_35 = arith.constant 0 : index
    %get3A_36 = vector.load %arg4[%get3A_33, %get3A_34, %get3A_35] : memref<2x1x128xf32, #tpu.memory_space<vmem>>, vector<1x1x128xf32>
    %get3A_37 = vector.shape_cast %get3A_36 : vector<1x1x128xf32> to vector<1x128xf32>
    %add3A_38 = vector.broadcast %get3A_37 : vector<1x128xf32> to vector<1000x128xf32>
    %add3A_39 = arith.addf %mul3A_32, %add3A_38 : vector<1000x128xf32>
    %max3A_40 = arith.constant 0.000000e+00 : f32
    %max3A_41 = vector.broadcast %max3A_40 : f32 to vector<1000x128xf32>
    %max3A_42 = arith.maximumf %add3A_39, %max3A_41 : vector<1000x128xf32>
    %swap3A = arith.constant 0 : index
    %swap3A_43 = arith.constant 0 : index
    %swap3A_44 = arith.constant 0 : index
    %swap3A_45 = vector.load %arg6[%swap3A, %swap3A_43, %swap3A_44] : memref<2x1000x128xf32, #tpu.memory_space<vmem>>, vector<1x1000x128xf32>
    %swap3A_46 = vector.shape_cast %swap3A_45 : vector<1x1000x128xf32> to vector<1000x128xf32>
    %swap3A_47 = vector.shape_cast %max3A_20 : vector<1000x128xf32> to vector<1x1000x128xf32>
    tpu.vector_store %arg6[%swap3A, %swap3A_43, %swap3A_44], %swap3A_47 {strides = array<i32>} : memref<2x1000x128xf32, #tpu.memory_space<vmem>>, vector<1x1000x128xf32>,
    %swap3A_48 = arith.constant 1 : index
    %swap3A_49 = arith.constant 0 : index
    %swap3A_50 = arith.constant 0 : index
    %swap3A_51 = vector.load %arg6[%swap3A_48, %swap3A_49, %swap3A_50] : memref<2x1000x128xf32, #tpu.memory_space<vmem>>, vector<1x1000x128xf32>
    %swap3A_52 = vector.shape_cast %swap3A_51 : vector<1x1000x128xf32> to vector<1000x128xf32>
    %swap3A_53 = vector.shape_cast %max3A_42 : vector<1000x128xf32> to vector<1x1000x128xf32>
    tpu.vector_store %arg6[%swap3A_48, %swap3A_49, %swap3A_50], %swap3A_53 {strides = array<i32>} : memref<2x1000x128xf32, #tpu.memory_space<vmem>>, vector<1x1000x128xf32>,
    %slice3A = vector.extract_strided_slice %max3A_20 {offsets = [0, 0], sizes = [1000, 64], strides = [1, 1]} : vector<1000x128xf32> to vector<1000x64xf32>
    %slice3A_54 = vector.extract_strided_slice %max3A_42 {offsets = [0, 0], sizes = [1000, 64], strides = [1, 1]} : vector<1000x128xf32> to vector<1000x64xf32>
    %concatenate3A = tpu.concatenate %slice3A, %slice3A_54 in 1 : vector<1000x64xf32>, vector<1000x64xf32> -> vector<1000x128xf32>
    %slice3A_55 = vector.extract_strided_slice %max3A_20 {offsets = [0, 64], sizes = [1000, 64], strides = [1, 1]} : vector<1000x128xf32> to vector<1000x64xf32>
    %slice3A_56 = vector.extract_strided_slice %max3A_42 {offsets = [0, 64], sizes = [1000, 64], strides = [1, 1]} : vector<1000x128xf32> to vector<1000x64xf32>
    %concatenate3A_57 = tpu.concatenate %slice3A_55, %slice3A_56 in 1 : vector<1000x64xf32>, vector<1000x64xf32> -> vector<1000x128xf32>
    %get3A_58 = arith.constant 0 : index
    %get3A_59 = arith.constant 0 : index
    %get3A_60 = vector.load %arg5[%get3A_58, %get3A_59] : memref<128x128xf32, #tpu.memory_space<vmem>>, vector<128x128xf32>
    %dot_general3A = arith.constant dense<0.000000e+00> : vector<1000x128xf32>
    %dot_general3A_61 = tpu.matmul %concatenate3A, %get3A_60, %dot_general3A {dimension_numbers = #tpu.dot_dimension_numbers<[1], [0], [0], [1], [0, 0, 1, 1], [], []>, transpose_lhs_hint = false} : vector<1000x128xf32>, vector<128x128xf32>, vector<1000x128xf32> -> vector<1000x128xf32>
    %get3A_62 = arith.constant 0 : index
    %get3A_63 = arith.constant 0 : index
    %get3A_64 = vector.load %arg5[%get3A_62, %get3A_63] : memref<128x128xf32, #tpu.memory_space<vmem>>, vector<128x128xf32>
    %dot_general3A_65 = arith.constant dense<0.000000e+00> : vector<1000x128xf32>
    %dot_general3A_66 = tpu.matmul %concatenate3A_57, %get3A_64, %dot_general3A_65 {dimension_numbers = #tpu.dot_dimension_numbers<[1], [0], [0], [1], [0, 0, 1, 1], [], []>, transpose_lhs_hint = false} : vector<1000x128xf32>, vector<128x128xf32>, vector<1000x128xf32> -> vector<1000x128xf32>
    %slice3A_67 = vector.extract_strided_slice %dot_general3A_61 {offsets = [0, 0], sizes = [1000, 64], strides = [1, 1]} : vector<1000x128xf32> to vector<1000x64xf32>
    %slice3A_68 = vector.extract_strided_slice %dot_general3A_66 {offsets = [0, 0], sizes = [1000, 64], strides = [1, 1]} : vector<1000x128xf32> to vector<1000x64xf32>
    %concatenate3A_69 = tpu.concatenate %slice3A_67, %slice3A_68 in 1 : vector<1000x64xf32>, vector<1000x64xf32> -> vector<1000x128xf32>
    %mul3A_70 = arith.mulf %get3A_1, %concatenate3A_69 : vector<1000x128xf32>
    %swap3A_71 = arith.constant 0 : index
    %swap3A_72 = arith.constant 0 : index
    %swap3A_73 = arith.constant 0 : index
    %swap3A_74 = vector.load %arg7[%swap3A_71, %swap3A_72, %swap3A_73] : memref<2x1000x128xf32, #tpu.memory_space<vmem>>, vector<1x1000x128xf32>
    %swap3A_75 = vector.shape_cast %swap3A_74 : vector<1x1000x128xf32> to vector<1000x128xf32>
    %swap3A_76 = vector.shape_cast %mul3A_70 : vector<1000x128xf32> to vector<1x1000x128xf32>
    tpu.vector_store %arg7[%swap3A_71, %swap3A_72, %swap3A_73], %swap3A_76 {strides = array<i32>} : memref<2x1000x128xf32, #tpu.memory_space<vmem>>, vector<1x1000x128xf32>,
    %slice3A_77 = vector.extract_strided_slice %dot_general3A_61 {offsets = [0, 64], sizes = [1000, 64], strides = [1, 1]} : vector<1000x128xf32> to vector<1000x64xf32>
    %slice3A_78 = vector.extract_strided_slice %dot_general3A_66 {offsets = [0, 64], sizes = [1000, 64], strides = [1, 1]} : vector<1000x128xf32> to vector<1000x64xf32>
    %concatenate3A_79 = tpu.concatenate %slice3A_77, %slice3A_78 in 1 : vector<1000x64xf32>, vector<1000x64xf32> -> vector<1000x128xf32>
    %mul3A_80 = arith.mulf %get3A_1, %concatenate3A_79 : vector<1000x128xf32>
    %swap3A_81 = arith.constant 1 : index
    %swap3A_82 = arith.constant 0 : index
    %swap3A_83 = arith.constant 0 : index
    %swap3A_84 = vector.load %arg7[%swap3A_81, %swap3A_82, %swap3A_83] : memref<2x1000x128xf32, #tpu.memory_space<vmem>>, vector<1x1000x128xf32>
    %swap3A_85 = vector.shape_cast %swap3A_84 : vector<1x1000x128xf32> to vector<1000x128xf32>
    %swap3A_86 = vector.shape_cast %mul3A_80 : vector<1000x128xf32> to vector<1x1000x128xf32>
    tpu.vector_store %arg7[%swap3A_81, %swap3A_82, %swap3A_83], %swap3A_86 {strides = array<i32>} : memref<2x1000x128xf32, #tpu.memory_space<vmem>>, vector<1x1000x128xf32>,
    return
  }
  func.func @transform_0(%arg0: i32) -> (i32, i32, i32) {
    %c0_i32 = arith.constant 0 : i32
    %c0_i32_0 = arith.constant 0 : i32
    %c0_i32_1 = arith.constant 0 : i32
    return %c0_i32, %arg0, %c0_i32_0 : i32, i32, i32
  }
  func.func @transform_1(%arg0: i32) -> (i32, i32, i32) {
    %c0_i32 = arith.constant 0 : i32
    %c0_i32_0 = arith.constant 0 : i32
    %c0_i32_1 = arith.constant 0 : i32
    return %c0_i32, %arg0, %c0_i32_0 : i32, i32, i32
  }
  func.func @transform_2(%arg0: i32) -> (i32, i32) {
    %c0_i32 = arith.constant 0 : i32
    %c0_i32_0 = arith.constant 0 : i32
    return %arg0, %c0_i32 : i32, i32
  }
  func.func @transform_3(%arg0: i32) -> (i32, i32, i32) {
    %c0_i32 = arith.constant 0 : i32
    %c0_i32_0 = arith.constant 0 : i32
    %c0_i32_1 = arith.constant 0 : i32
    %c0_i32_2 = arith.constant 0 : i32
    return %c0_i32, %c0_i32_0, %c0_i32_1 : i32, i32, i32
  }
  func.func @transform_4(%arg0: i32) -> (i32, i32) {
    %c0_i32 = arith.constant 0 : i32
    %c0_i32_0 = arith.constant 0 : i32
    %c0_i32_1 = arith.constant 0 : i32
    return %c0_i32, %c0_i32_0 : i32, i32
  }
  func.func @transform_5(%arg0: i32) -> (i32, i32, i32) {
    %c0_i32 = arith.constant 0 : i32
    %c0_i32_0 = arith.constant 0 : i32
    %c0_i32_1 = arith.constant 0 : i32
    return %c0_i32, %arg0, %c0_i32_0 : i32, i32, i32
  }
  func.func @transform_6(%arg0: i32) -> (i32, i32, i32) {
    %c0_i32 = arith.constant 0 : i32
    %c0_i32_0 = arith.constant 0 : i32
    %c0_i32_1 = arith.constant 0 : i32
    return %c0_i32, %arg0, %c0_i32_0 : i32, i32, i32
  }
}

module attributes {stable_mosaic.version = 14 : i64} {
  func.func @_tc_unpack_body(%arg0: i32, %arg1: memref<2x1000x128xf32, #tpu.memory_space<vmem>>, %arg2: memref<2000x128xf32, #tpu.memory_space<vmem>>) attributes {dimension_semantics = [#tpu.dimension_semantics<arbitrary>], iteration_bounds = array<i64: 5>, scalar_prefetch = 0 : i64, scratch_operands = 0 : i64, tpu.core_type = #tpu.core_type<tc>, window_params = [{transform_indices = @transform_0, window_bounds = array<i64: 2, 1000, 128>}, {transform_indices = @transform_1, window_bounds = array<i64: 2000, 128>}]} {
    %get3A = arith.constant 0 : index
    %get3A_0 = arith.constant 0 : index
    %get3A_1 = arith.constant 0 : index
    %get3A_2 = vector.load %arg1[%get3A, %get3A_0, %get3A_1] : memref<2x1000x128xf32, #tpu.memory_space<vmem>>, vector<1x1000x128xf32>
    %get3A_3 = vector.shape_cast %get3A_2 : vector<1x1000x128xf32> to vector<1000x128xf32>
    %slice3A = vector.extract_strided_slice %get3A_3 {offsets = [0, 0], sizes = [1000, 64], strides = [1, 1]} : vector<1000x128xf32> to vector<1000x64xf32>
    %get3A_4 = arith.constant 1 : index
    %get3A_5 = arith.constant 0 : index
    %get3A_6 = arith.constant 0 : index
    %get3A_7 = vector.load %arg1[%get3A_4, %get3A_5, %get3A_6] : memref<2x1000x128xf32, #tpu.memory_space<vmem>>, vector<1x1000x128xf32>
    %get3A_8 = vector.shape_cast %get3A_7 : vector<1x1000x128xf32> to vector<1000x128xf32>
    %slice3A_9 = vector.extract_strided_slice %get3A_8 {offsets = [0, 0], sizes = [1000, 64], strides = [1, 1]} : vector<1000x128xf32> to vector<1000x64xf32>
    %concatenate3A = tpu.concatenate %slice3A, %slice3A_9 in 1 : vector<1000x64xf32>, vector<1000x64xf32> -> vector<1000x128xf32>
    %get3A_10 = arith.constant 0 : index
    %get3A_11 = arith.constant 0 : index
    %get3A_12 = arith.constant 0 : index
    %get3A_13 = vector.load %arg1[%get3A_10, %get3A_11, %get3A_12] : memref<2x1000x128xf32, #tpu.memory_space<vmem>>, vector<1x1000x128xf32>
    %get3A_14 = vector.shape_cast %get3A_13 : vector<1x1000x128xf32> to vector<1000x128xf32>
    %slice3A_15 = vector.extract_strided_slice %get3A_14 {offsets = [0, 64], sizes = [1000, 64], strides = [1, 1]} : vector<1000x128xf32> to vector<1000x64xf32>
    %get3A_16 = arith.constant 1 : index
    %get3A_17 = arith.constant 0 : index
    %get3A_18 = arith.constant 0 : index
    %get3A_19 = vector.load %arg1[%get3A_16, %get3A_17, %get3A_18] : memref<2x1000x128xf32, #tpu.memory_space<vmem>>, vector<1x1000x128xf32>
    %get3A_20 = vector.shape_cast %get3A_19 : vector<1x1000x128xf32> to vector<1000x128xf32>
    %slice3A_21 = vector.extract_strided_slice %get3A_20 {offsets = [0, 64], sizes = [1000, 64], strides = [1, 1]} : vector<1000x128xf32> to vector<1000x64xf32>
    %concatenate3A_22 = tpu.concatenate %slice3A_15, %slice3A_21 in 1 : vector<1000x64xf32>, vector<1000x64xf32> -> vector<1000x128xf32>
    %stack3A = vector.shape_cast %concatenate3A : vector<1000x128xf32> to vector<1000x1x128xf32>
    %stack3A_23 = vector.shape_cast %concatenate3A_22 : vector<1000x128xf32> to vector<1000x1x128xf32>
    %stack3A_24 = tpu.concatenate %stack3A, %stack3A_23 in 1 : vector<1000x1x128xf32>, vector<1000x1x128xf32> -> vector<1000x2x128xf32>
    %reshape3A = vector.shape_cast %stack3A_24 : vector<1000x2x128xf32> to vector<2000x128xf32>
    %swap3A = arith.constant 0 : index
    %swap3A_25 = arith.constant 0 : index
    %swap3A_26 = vector.load %arg2[%swap3A, %swap3A_25] : memref<2000x128xf32, #tpu.memory_space<vmem>>, vector<2000x128xf32>
    tpu.vector_store %arg2[%swap3A, %swap3A_25], %reshape3A {strides = array<i32>} : memref<2000x128xf32, #tpu.memory_space<vmem>>, vector<2000x128xf32>,
    return
  }
  func.func @transform_0(%arg0: i32) -> (i32, i32, i32) {
    %c0_i32 = arith.constant 0 : i32
    %c0_i32_0 = arith.constant 0 : i32
    %c0_i32_1 = arith.constant 0 : i32
    return %c0_i32, %arg0, %c0_i32_0 : i32, i32, i32
  }
  func.func @transform_1(%arg0: i32) -> (i32, i32) {
    %c0_i32 = arith.constant 0 : i32
    %c0_i32_0 = arith.constant 0 : i32
    return %arg0, %c0_i32 : i32, i32
  }
}

</mosaic_0001>

<sc_bundles>
// kernel: closed_call.14.cloned.1.call-start
scs
__scs_entry_jumppad:
0x0: {  	(pc) =	sbr.rel $0x88, $3  }
0x1: {  	(tag) =	ssettag $0x0;
	lr =	simm.s32 $0x1  }
0x2: {  	[smem:$0x3F99] =	sst lr;
	_ =	strace $0xD0000000  }
0x3: {  	_ = 	snop  }
0x4: {  	_ = 	snop  }
0x5: {  	_ = 	snop  }
0x6: {  	_ = 	snop  }
0x7: {  	_ = 	snop  }
__scs_overlays_trampoline_lowered:
0x8: {  	[smem:$0x3FA8] =	sst s0  }
0x9: {  	[smem:$0x3FA9] =	sst s1  }
0xa: {  	[smem:$0x3FAA] =	sst s2  }
0xb: {  	[smem:$0x3FAB] =	sst s3  }
0xc: {  	[smem:$0x3FAC] =	sst s4  }
0xd: {  	[smem:$0x3FAD] =	sst s5  }
0xe: {  	[smem:$0x3FAE] =	sst s6  }
0xf: {  	[smem:$0x3FAF] =	sst s7  }
0x10: {  	[smem:$0x3FB0] =	sst s8  }
0x11: {  	[smem:$0x3FB1] =	sst s9;
	s0 =	simm.s32 @!p0 $0x0  }
0x12: {  	s1 =	sld [smem:$0x3F97];
	s0 =	simm.s32 @p0 $0x1  }
0x13: {  	[smem:$0x3FB2] =	sst s0;
	s0 =	simm.s32 @!p1 $0x0  }
0x14: {  	s2 =	sld [smem:$0x3F96];
	s0 =	simm.s32 @p1 $0x1  }
0x15: {  	[smem:$0x3FB3] =	sst s0;
	s0 =	simm.s32 @!p2 $0x0  }
0x16: {  	s3 =	sld [smem:$0x3FDB];
	s0 =	simm.s32 @p2 $0x1  }
0x17: {  	s4 =	simm.s32 $0x1BF5;
	[smem:$0x3FB5] =	sst s0  }
0x18: {  	s0 =	sld [smem:$0x3F98];
	_ =	swait.ge [sflag:s4], $0x0  }
0x19: {  	s7 =	sld [smem:$0x3F99]  }
0x1a: {  	s8 =	sadd.s32 $0xFFFFE003, lr  }
0x1b: {  	s9 =	sadd.s32 $0xFFFFFEF7, lr;
	s5 =	simm.s32 $0xFFFFFFFF;
	p2 =	slt.u32 s8, $0xFFFFF086  }
0x1c: {  	p1 =	slt.u32 s9, $0xF7A;
	s5 =	simm.s32 @!p2 $0x0  }
0x1d: {  	s5 =	simm.s32 @p1 $0x1;
	p0 =	seq.s32 s7, s2  }
0x1e: {  	s7 =	smul.u32 @!p0 $0xF7A, s2;
	p2 =	seq.s32 @!p0 s5, $0x0  }
0x1f: {  	s9 =	smul.u32 $0xF7A, s1;
	s8 =	simm.s32 @!p0 $0x1BF5;
	p2 =	por !p2, p0  }
0x20: {  	[sflag:s8] =	ssyncset.s32 @!p0 $0xFFFFF086;
	s6 =	sadd.s32 @!p0 s3, s7;
	s7 =	simm.s32 @!p0 $0x108  }
0x21: {  	s3 =	sadd.s32 s3, s9;
	s6 =	sadd.s32 @!p0 $0x88, s6;
	s7 =	simm.s32 @p2 $0x1082  }
0x22: {  	[simem:s7], [sflag:s8] =	dma.local @!p0 [hbm:s6], $0xF7A  }
0x23: {  	s9 =	sor.u32 $0xD0000000, s2;
	s6 =	simm.s32 $0x108;
	_ =	swait.ge @!p0 [sflag:s8], $0x0  }
0x24: {  	s3 =	sadd.s32 $0x88, s3;
	s6 =	simm.s32 @!p1 $0x1082;
	[sflag:s4] =	ssyncset.s32 $0xFFFFF086  }
0x25: {  	[simem:s6], [sflag:s4] =	dma.local [hbm:s3], $0xF7A  }
0x26: {  	[smem:$0x3F99] =	sst s1;
	(tag) =	ssettag s2;
	_ =	strace s9  }
0x27: {  	s1 =	sld [smem:$0x3FA9]  }
0x28: {  	s2 =	sld [smem:$0x3FAA]  }
0x29: {  	s4 =	sld [smem:$0x3FAC]  }
0x2a: {  	p0 =	seq.s32 s5, $0x0;
	s5 =	sld [smem:$0x3FAD]  }
0x2b: {  	s6 =	sld [smem:$0x3FAE]  }
0x2c: {  	s7 =	sld [smem:$0x3FAF]  }
0x2d: {  	s3 =	simm.s32 $0x108;
	s8 =	sld [smem:$0x3FB0]  }
0x2e: {  	s3 =	simm.s32 @!p0 $0x1082;
	s9 =	sld [smem:$0x3FB1]  }
0x2f: {  	lr =	sadd.s32 s0, s3;
	s0 =	sld [smem:$0x3FA8]  }
0x30: {  	s3 =	sld [smem:$0x3FAB]  }
0x31: {  	[smem:$0x3FB4] =	sst s10  }
0x32: {  	s10 =	sld [smem:$0x3FB2];
	_ =	sdelay $0x3  }
0x33: {  	p0 =	seq.s32 s10, $0x1;
	s10 =	sld [smem:$0x3FB4];
	_ =	sdelay $0x3  }
0x34: {  	[smem:$0x3FB4] =	sst s10  }
0x35: {  	s10 =	sld [smem:$0x3FB3];
	_ =	sdelay $0x3  }
0x36: {  	p1 =	seq.s32 s10, $0x1;
	s10 =	sld [smem:$0x3FB4];
	_ =	sdelay $0x3  }
0x37: {  	[smem:$0x3FB4] =	sst s10  }
0x38: {  	s10 =	sld [smem:$0x3FB5]  }
0x39: {  	_ = 	snop;
	(pc) =	sbr.ind lr, $3  }
0x3a: {  	_ = 	snop  }
0x3b: {  	_ = 	snop  }
0x3c: {  	p2 =	seq.s32 s10, $0x1;
	s10 =	sld [smem:$0x3FB4]  }
0x3d: {  	_ =	shalt  }
0x3e: {  	_ =	shalt  }
0x3f: {  	_ =	shalt  }
0x40: {  	_ =	shalt  }
0x41: {  	_ =	shalt  }
0x42: {  	_ =	shalt  }
0x43: {  	_ =	shalt  }
0x44: {  	_ =	shalt  }
0x45: {  	_ =	shalt  }
0x46: {  	_ =	shalt  }
0x47: {  	_ =	shalt  }
0x48: {  	_ =	shalt  }
0x49: {  	_ =	shalt  }
0x4a: {  	_ =	shalt  }
0x4b: {  	_ =	shalt  }
0x4c: {  	_ =	shalt  }
0x4d: {  	_ =	shalt  }
0x4e: {  	_ =	shalt  }
0x4f: {  	_ =	shalt  }
0x50: {  	_ =	shalt  }
0x51: {  	_ =	shalt  }
0x52: {  	_ =	shalt  }
0x53: {  	_ =	shalt  }
0x54: {  	_ =	shalt  }
0x55: {  	_ =	shalt  }
0x56: {  	_ =	shalt  }
0x57: {  	_ =	shalt  }
0x58: {  	_ =	shalt  }
0x59: {  	_ =	shalt  }
0x5a: {  	_ =	shalt  }
0x5b: {  	_ =	shalt  }
0x5c: {  	_ =	shalt  }
0x5d: {  	_ =	shalt  }
0x5e: {  	_ =	shalt  }
0x5f: {  	_ =	shalt  }
0x60: {  	_ =	shalt  }
0x61: {  	_ =	shalt  }
0x62: {  	_ =	shalt  }
0x63: {  	_ =	shalt  }
0x64: {  	_ =	shalt  }
0x65: {  	_ =	shalt  }
0x66: {  	_ =	shalt  }
0x67: {  	_ =	shalt  }
0x68: {  	_ =	shalt  }
0x69: {  	_ =	shalt  }
0x6a: {  	_ =	shalt  }
0x6b: {  	_ =	shalt  }
0x6c: {  	_ =	shalt  }
0x6d: {  	_ =	shalt  }
0x6e: {  	_ =	shalt  }
0x6f: {  	_ =	shalt  }
0x70: {  	_ =	shalt  }
0x71: {  	_ =	shalt  }
0x72: {  	_ =	shalt  }
0x73: {  	_ =	shalt  }
0x74: {  	_ =	shalt  }
0x75: {  	_ =	shalt  }
0x76: {  	_ =	shalt  }
0x77: {  	_ =	shalt  }
0x78: {  	_ =	shalt  }
0x79: {  	_ =	shalt  }
0x7a: {  	_ =	shalt  }
0x7b: {  	_ =	shalt  }
0x7c: {  	_ =	shalt  }
0x7d: {  	_ =	shalt  }
0x7e: {  	_ =	shalt  }
0x7f: {  	_ =	shalt  }
0x80: {  	_ =	shalt  }
0x81: {  	_ =	shalt  }
0x82: {  	_ =	shalt  }
0x83: {  	_ =	shalt  }
0x84: {  	_ =	shalt  }
0x85: {  	_ =	shalt  }
0x86: {  	_ =	shalt  }
0x87: {  	_ =	shalt  }
.Lfunc_end0:
.L_simem_size_0:
called_computation_lowered:
.L_overlay_start_0:
0x88: {  	s2 =	sld [smem:$0x3FD9]  }
0x89: {  	s3 =	sld [smem:$0x3FFE];
	_ =	sdelay $0x1  }
0x8a: {  	s1 =	srdreg.scid  }
0x8b: {  	s0 =	sand.u32 $0x1, s1  }
0x8c: {  	s17 =	sshll.u32 s0, $0xA;
	s2 =	sadd.s32 s3, s2  }
0x8d: {  	s2 =	sadd.s32 s2, s17  }
0x8e: {  	[smem:$0x3FC0] =	sst s2  }
0x8f: {  	_ = 	snop  }
0x90: {  	s2 =	sld [smem:$0x3FD0];
	(tm) =	ssettm $0x1  }
0x91: {  	s18 =	sld [smem:$0x3FFB];
	_ =	sdelay $0x3  }
0x92: {  	_ =	strace s18  }
0x93: {  	s3 =	sld [smem:$0x3FFC];
	_ =	sdelay $0x3  }
0x94: {  	_ =	strace s3  }
0x95: {  	s3 =	sld [smem:$0x3FFD];
	_ =	sdelay $0x3  }
0x96: {  	_ =	strace s3  }
0x97: {  	_ =	strace $0x8FFFFFFF  }
0x98: {  	s19 =	sld [smem:$0x3FDB];
	_ =	sdelay $0x1  }
0x99: {  	s4 =	simm.s32 $_scs_section_size  }
0x9a: {  	s5 =	simm.s32 $_size__tile_overlayer_lowered;
	s6 =	simm.s32 $_tile_overlayer_lowered  }
0x9b: {  	s22 =	simm.s32 $0x1BFF;
	s21 =	sshll.u32 s6, $0x1;
	s3 =	sadd.s32 s4, s19  }
0x9c: {  	s7 =	simm.s32 $0x0;
	s20 =	sshll.u32 s5, $0x1;
	s5 =	sadd.s32 s21, s3  }
0x9d: {  	[timem:s7], [sflag:s22] =	dma.local [hbm:s5], s20  }
0x9e: {  	_ =	swait.ge [sflag:s22], s20  }
0x9f: {  	s4 =	ssub.s32 $0x0, s20;
	[sflag:s22] =	ssyncset.done $0x0  }
0xa0: {  	[sflag:s22] =	ssyncadd.s32 s4;
	_ =	sdelay $0x1  }
0xa1: {  	s23 =	simm.s32 $0x1B8B  }
0xa2: {  	_ =	swait.ge [sflag:s23], $0x1  }
0xa3: {  	[sflag:s23] =	ssyncset.done $0x0  }
0xa4: {  	s25 =	simm.s32 $0x1B8E;
	s24 =	sld [smem:$0x3FFE];
	[sflag:s23] =	ssyncadd.s32 $0xFFFFFFFF  }
0xa5: {  	s26 =	simm.s32 $execute0_lowered;
	[smem:$0x3FD2] =	sst s25  }
0xa6: {  	s5 =	sshll.u32 s26, $0x1;
	_ =	strace $0x80000049;
	[dreg:$0x1] =	wrdreg $0xFFFFFFFF  }
0xa7: {  	s28 =	simm.s32 $_size_execute0_lowered;
	s3 =	sadd.s32 s3, s5;
	[dreg:$0x0] =	wrdreg $0x0  }
0xa8: {  	s5 =	sshll.u32 s28, $0x1;
	[dreg:$0x2] =	wrdreg s3  }
0xa9: {  	[dreg:$0x3] =	wrdreg s5  }
0xaa: {  	[dreg:$0x4] =	wrdreg $0xC0  }
0xab: {  	_ =	task [dreg:s7], $0x5FFFF  }
0xac: {  	[dreg:$0x1] =	wrdreg $0xFFFFFFFF  }
0xad: {  	[dreg:$0x0] =	wrdreg $0x60  }
0xae: {  	[dreg:$0x2] =	wrdreg s24  }
0xaf: {  	[dreg:$0x3] =	wrdreg s2  }
0xb0: {  	[dreg:$0x4] =	wrdreg $0x158800  }
0xb1: {  	[dreg:$0x5] =	wrdreg $0x9  }
0xb2: {  	_ =	task.clear_ibuf [dreg:s7], $0x6FFFF;
	_ =	strace $0x90000049  }
0xb3: {  	s29 =	simm.s32 $0x9;
	_ =	strace $0x8000004B  }
0xb4: {  	_ =	swait.ge [sflag:s29], $0x1  }
0xb5: {  	[sflag:s29] =	ssyncadd.s32 $0xFFFFFFFF  }
0xb6: {  	_ =	strace $0x9000004B  }
0xb7: {  	_ =	sfence  }
0xb8: {  	s30 =	sld [smem:$0x0];
	_ =	sdelay $0x2  }
0xb9: {  	s31 =	sshll.u32 s1, $0xD;
	s1 =	sshrl.u32 s1, $0x2  }
0xba: {  	s3 =	sand.u32 $0x4000, s31;
	s1 =	sadd.s32 s1, s30  }
0xbb: {  	s0 =	sor.u32 s3, s0;
	s1 =	sshll.u32 s1, $0x11  }
0xbc: {  	s0 =	sor.u32 s1, s0  }
0xbd: {  	s0 =	sadd.s32 $0x8F2B, s0  }
0xbe: {  	[sflag:s0] =	ssyncadd.remote.s32 $0x1  }
0xbf: {  	_ =	sfence.sel $0xFFFF  }
0xc0: {  	[dreg:$0x0] =	wrdreg $0xFFFFFFFF;
	(pc) =	sbr.abs _section_cstart, $3  }
0xc1: {  	[dreg:$0x1] =	wrdreg $0xFFFFFFFF  }
0xc2: {  	_ =	task.clear_ibuf [dreg:s7], $0x2FFFF;
	_ =	strace $0x9FFFFFFF  }
0xc3: {  	(tm) =	ssettm $0x7FFFFFFF  }
tec
execute0_lowered:
.L_overlay_start_1:
0x0: {  	(tag) =	ssettag $0x1  }
0x1: {  	s0 =	rddreg [dreg:$0x0]  }
0x2: {  	s1 =	rddreg [dreg:$0x1];
	s9 =	stileid.u32  }
0x3: {  	s3 =	srdreg.scid;
	s2 =	rddreg [dreg:$0x2];
	s15 =	simm.s32 $0xD  }
0x4: {  	s17 =	simm.s32 $0x13880;
	s18 =	simm.s32 $0x64;
	s19 =	simm.s32 $0xA280  }
0x5: {  	s29 =	simm.s32 $0x10680;
	s30 =	simm.s32 $0x2;
	s4 =	smul.u32 $0xA28, s9  }
0x6: {  	s28 =	simm.s32 $0x8;
	s31 =	simm.s32 $0x5;
	s6 =	smul.u32 $0xA000, s9  }
0x7: {  	s5 =	sand.u32 $0x1, s3;
	s3 =	simm.s32 $0x0;
	s9 =	smul.u32 $0x28000, s9  }
0x8: {  	s10 =	sadd.s32 $0x8C600, s0;
	s7 =	smul.u32 $0xA0000, s5;
	[smem:$0x7FF] =	sst s3  }
0x9: {  	s8 =	ssub.s32 $0x2, s5;
	s5 =	smul.u32 $0x13880, s5;
	_ =	strace $0x8000004A  }
0xa: {  	s4 =	sadd.s32 s4, s0;
	[dreg:$0x4] =	wrdreg s10;
	s20 =	sshrl.u32 s8, $0x1  }
0xb: {  	s22 =	sshrl.u32 s9, $0x2;
	s9 =	simm.s32 $0x0;
	s7 =	sadd.s32 s6, s7  }
0xc: {  	s8 =	ssub.s32 s8, s20;
	s21 =	sadd.s32 $0x82200, s4;
	s4 =	sadd.s32 $0x2800, s4  }
0xd: {  	s23 =	sadd.s32 s22, s2;
	s12 =	sadd.s32 s1, s5;
	s20 =	simm.s32 $0x3  }
0xe: {  	s22 =	simm.s32 $0x7;
	s1 =	simm.s32 $0x9;
	[dreg:$0x5] =	wrdreg s21  }
0xf: {  	s5 =	simm.s32 $0xA;
	s7 =	sshrl.u32 s7, $0x3;
	[dreg:$0x6] =	wrdreg s4  }
0x10: {  	s24 =	sadd.s32 $0x2000, s23;
	s25 =	sadd.s32 $0x4000, s23;
	s26 =	sadd.s32 $0x6000, s23  }
0x11: {  	s4 =	sadd.s32 $0x8000, s23;
	s14 =	smax.u32 s8, $0x1;
	[dreg:$0x7] =	wrdreg s24  }
0x12: {  	s21 =	simm.s32 $0xBB80;
	s23 =	simm.s32 $0xD480;
	[dreg:$0x8] =	wrdreg s25  }
0x13: {  	s8 =	simm.s32 $0xC;
	s0 =	sadd.s32 s7, s0;
	[dreg:$0x9] =	wrdreg s26  }
0x14: {  	s7 =	sadd.s32 s6, s2;
	[dreg:$0xa] =	wrdreg s4;
	s25 =	simm.s32 $0xED80  }
0x15: {  	s26 =	simm.s32 $0x1;
	s24 =	simm.s32 $0x4;
	s4 =	simm.s32 $0x6  }
0x16: {  	s6 =	simm.s32 $0xB;
	s13 =	sadd.s32 $0x8CA00, s0;
	s0 =	simm.s32 $0x11F80  }
.LBB2_1:
0x17: {  	s10 =	rddreg [dreg:$0x5]  }
0x18: {  	[tilespmem:s3], [sflag:$0xD] =	stream.linear.gather [hbm4b:s10+s3], $0x5140, $0x38;
	[tilespmem:$0x1F880] =	vst v63  }
0x19: {  	_ =	swait.ge [sflag:s15], $0x5140  }
0x1a: {  	[sflag:s15] =	ssyncset.done $0x0  }
0x1b: {  	s11 =	simm.s32 $0x5140;
	s16 =	rddreg [dreg:$0x6];
	[sflag:s15] =	ssyncadd.s32 $0xFFFFAEC0  }
0x1c: {  	[tilespmem:s11], [sflag:$0xD] =	stream.linear.gather [hbm4b:s16+s3], $0x5140, $0x38;
	[tilespmem:$0x1F880] =	vst v63  }
0x1d: {  	_ =	swait.ge [sflag:s15], $0x5140  }
0x1e: {  	[sflag:s15] =	ssyncset.done $0x0  }
0x1f: {  	s16 =	rddreg [dreg:$0x4];
	[sflag:s15] =	ssyncadd.s32 $0xFFFFAEC0  }
0x20: {  	[tilespmem:s17], [sflag:$0xD] =	stream.linear.gather [hbm4b:s16+s3], $0x2000, $0x38;
	[tilespmem:$0x1F880] =	vst v63  }
0x21: {  	_ =	swait.ge [sflag:s15], $0x2000  }
0x22: {  	[sflag:s15] =	ssyncset.done $0x0  }
0x23: {  	[sflag:s15] =	ssyncadd.s32 $0xFFFFE000  }
0x24: {  	[spmem:s7] =	stream.linear.scatter [tilespmem:s17], [sflag:$0xD], $0x2000, $0x38;
	[tilespmem:$0x1F880] =	vst v63  }
0x25: {  	_ =	swait.ge [sflag:s15], $0x2000  }
0x26: {  	[sflag:s15] =	ssyncset.done $0x0  }
0x27: {  	s16 =	rddreg [dreg:$0x7];
	[sflag:s15] =	ssyncadd.s32 $0xFFFFE000  }
0x28: {  	[spmem:s16] =	stream.linear.scatter [tilespmem:s17], [sflag:$0xD], $0x2000, $0x38;
	[tilespmem:$0x1F880] =	vst v63  }
0x29: {  	_ =	swait.ge [sflag:s15], $0x2000  }
0x2a: {  	[sflag:s15] =	ssyncset.done $0x0  }
0x2b: {  	s16 =	rddreg [dreg:$0x8];
	[sflag:s15] =	ssyncadd.s32 $0xFFFFE000  }
0x2c: {  	[spmem:s16] =	stream.linear.scatter [tilespmem:s17], [sflag:$0xD], $0x2000, $0x38;
	[tilespmem:$0x1F880] =	vst v63  }
0x2d: {  	_ =	swait.ge [sflag:s15], $0x2000  }
0x2e: {  	[sflag:s15] =	ssyncset.done $0x0  }
0x2f: {  	s16 =	rddreg [dreg:$0x9];
	[sflag:s15] =	ssyncadd.s32 $0xFFFFE000  }
0x30: {  	[spmem:s16] =	stream.linear.scatter [tilespmem:s17], [sflag:$0xD], $0x2000, $0x38;
	[tilespmem:$0x1F880] =	vst v63  }
0x31: {  	_ =	swait.ge [sflag:s15], $0x2000  }
0x32: {  	[sflag:s15] =	ssyncset.done $0x0  }
0x33: {  	s16 =	rddreg [dreg:$0xa];
	[sflag:s15] =	ssyncadd.s32 $0xFFFFE000  }
0x34: {  	[spmem:s16] =	stream.linear.scatter [tilespmem:s17], [sflag:$0xD], $0x2000, $0x38;
	[tilespmem:$0x1F880] =	vst v63  }
0x35: {  	_ =	swait.ge [sflag:s15], $0x2000  }
0x36: {  	[sflag:s15] =	ssyncset.done $0x0  }
0x37: {  	[sflag:s15] =	ssyncadd.s32 $0xFFFFE000  }
0x38: {  	[bflag:$0x0] =	sbarrier.arrive $0xFFFF  }
0x39: {  	[tilespmem:s19], [sflag:$0x1] =	stream.indirect.gather [hbm4b:s12+s18], $0x40, s3, s18, $0xb8;
	[tilespmem:$0x1F880] =	vst v63  }
0x3a: {  	s16 =	simm.s32 $0x68  }
0x3b: {  	[tilespmem:s21], [sflag:$0x2] =	stream.indirect.gather [hbm4b:s12+s18], $0x40, s16, s18, $0xb8;
	[tilespmem:$0x1F880] =	vst v63  }
0x3c: {  	s16 =	simm.s32 $0xD0  }
0x3d: {  	[tilespmem:s23], [sflag:$0x3] =	stream.indirect.gather [hbm4b:s12+s18], $0x40, s16, s18, $0xb8;
	[tilespmem:$0x1F880] =	vst v63  }
0x3e: {  	s16 =	simm.s32 $0x138  }
0x3f: {  	[tilespmem:s25], [sflag:$0x4] =	stream.indirect.gather [hbm4b:s12+s18], $0x40, s16, s18, $0xb8;
	[tilespmem:$0x1F880] =	vst v63  }
0x40: {  	_ =	swait.ge [sflag:s26], $0x1900  }
0x41: {  	[sflag:s26] =	ssyncset.done $0x0  }
0x42: {  	[sflag:s26] =	ssyncadd.s32 $0xFFFFE700  }
0x43: {  	[spmem:s2] =	stream.indirect.scatter.add.f32 [tilespmem:s19], [sflag:$0x7], $0x40, s11, s18, $0xb8;
	[tilespmem:$0x1F880] =	vst v63  }
0x44: {  	s11 =	simm.s32 $0x1A0  }
0x45: {  	[tilespmem:s29], [sflag:$0x5] =	stream.indirect.gather [hbm4b:s12+s18], $0x40, s11, s18, $0xb8;
	[tilespmem:$0x1F880] =	vst v63  }
0x46: {  	_ =	swait.ge [sflag:s30], $0x1900  }
0x47: {  	[sflag:s30] =	ssyncset.done $0x0  }
0x48: {  	s16 =	simm.s32 $0x51A8;
	[sflag:s30] =	ssyncadd.s32 $0xFFFFE700  }
0x49: {  	[spmem:s2] =	stream.indirect.scatter.add.f32 [tilespmem:s21], [sflag:$0x8], $0x40, s16, s18, $0xb8;
	[tilespmem:$0x1F880] =	vst v63  }
0x4a: {  	s11 =	simm.s32 $0x208  }
0x4b: {  	[tilespmem:s0], [sflag:$0x6] =	stream.indirect.gather [hbm4b:s12+s18], $0x40, s11, s18, $0xb8;
	[tilespmem:$0x1F880] =	vst v63  }
0x4c: {  	_ =	swait.ge [sflag:s20], $0x1900  }
0x4d: {  	[sflag:s20] =	ssyncset.done $0x0  }
0x4e: {  	s16 =	simm.s32 $0x5210;
	[sflag:s20] =	ssyncadd.s32 $0xFFFFE700  }
0x4f: {  	[spmem:s2] =	stream.indirect.scatter.add.f32 [tilespmem:s23], [sflag:$0x9], $0x40, s16, s18, $0xb8;
	[tilespmem:$0x1F880] =	vst v63  }
0x50: {  	_ =	swait.ge [sflag:s22], $0x1900  }
0x51: {  	[sflag:s22] =	ssyncset.done $0x0  }
0x52: {  	s11 =	simm.s32 $0x270;
	[sflag:s22] =	ssyncadd.s32 $0xFFFFE700  }
0x53: {  	[tilespmem:s19], [sflag:$0x1] =	stream.indirect.gather [hbm4b:s12+s18], $0x40, s11, s18, $0xb8;
	[tilespmem:$0x1F880] =	vst v63  }
0x54: {  	_ =	swait.ge [sflag:s24], $0x1900  }
0x55: {  	[sflag:s24] =	ssyncset.done $0x0  }
0x56: {  	s16 =	simm.s32 $0x5278;
	[sflag:s24] =	ssyncadd.s32 $0xFFFFE700  }
0x57: {  	[spmem:s2] =	stream.indirect.scatter.add.f32 [tilespmem:s25], [sflag:$0xA], $0x40, s16, s18, $0xb8;
	[tilespmem:$0x1F880] =	vst v63  }
0x58: {  	_ =	swait.ge [sflag:s28], $0x1900  }
0x59: {  	[sflag:s28] =	ssyncset.done $0x0  }
0x5a: {  	s11 =	simm.s32 $0x2D8;
	[sflag:s28] =	ssyncadd.s32 $0xFFFFE700  }
0x5b: {  	[tilespmem:s21], [sflag:$0x2] =	stream.indirect.gather [hbm4b:s12+s18], $0x40, s11, s18, $0xb8;
	[tilespmem:$0x1F880] =	vst v63  }
0x5c: {  	_ =	swait.ge [sflag:s31], $0x1900  }
0x5d: {  	[sflag:s31] =	ssyncset.done $0x0  }
0x5e: {  	s16 =	simm.s32 $0x52E0;
	[sflag:s31] =	ssyncadd.s32 $0xFFFFE700  }
0x5f: {  	[spmem:s2] =	stream.indirect.scatter.add.f32 [tilespmem:s29], [sflag:$0xB], $0x40, s16, s18, $0xb8;
	[tilespmem:$0x1F880] =	vst v63  }
0x60: {  	_ =	swait.ge [sflag:s1], $0x1900  }
0x61: {  	[sflag:s1] =	ssyncset.done $0x0  }
0x62: {  	s11 =	simm.s32 $0x340;
	[sflag:s1] =	ssyncadd.s32 $0xFFFFE700  }
0x63: {  	[tilespmem:s23], [sflag:$0x3] =	stream.indirect.gather [hbm4b:s12+s18], $0x40, s11, s18, $0xb8;
	[tilespmem:$0x1F880] =	vst v63  }
0x64: {  	_ =	swait.ge [sflag:s4], $0x1900  }
0x65: {  	[sflag:s4] =	ssyncset.done $0x0  }
0x66: {  	s16 =	simm.s32 $0x5348;
	[sflag:s4] =	ssyncadd.s32 $0xFFFFE700  }
0x67: {  	[spmem:s2] =	stream.indirect.scatter.add.f32 [tilespmem:s0], [sflag:$0xC], $0x40, s16, s18, $0xb8;
	[tilespmem:$0x1F880] =	vst v63  }
0x68: {  	_ =	swait.ge [sflag:s5], $0x1900  }
0x69: {  	[sflag:s5] =	ssyncset.done $0x0  }
0x6a: {  	s11 =	simm.s32 $0x3A8;
	[sflag:s5] =	ssyncadd.s32 $0xFFFFE700  }
0x6b: {  	[tilespmem:s25], [sflag:$0x4] =	stream.indirect.gather [hbm4b:s12+s18], $0x40, s11, s18, $0xb8;
	[tilespmem:$0x1F880] =	vst v63  }
0x6c: {  	_ =	swait.ge [sflag:s26], $0x1900  }
0x6d: {  	[sflag:s26] =	ssyncset.done $0x0  }
0x6e: {  	s16 =	simm.s32 $0x53B0;
	[sflag:s26] =	ssyncadd.s32 $0xFFFFE700  }
0x6f: {  	[spmem:s2] =	stream.indirect.scatter.add.f32 [tilespmem:s19], [sflag:$0x7], $0x40, s16, s18, $0xb8;
	[tilespmem:$0x1F880] =	vst v63  }
0x70: {  	_ =	swait.ge [sflag:s6], $0x1900  }
0x71: {  	[sflag:s6] =	ssyncset.done $0x0  }
0x72: {  	s11 =	simm.s32 $0x410;
	[sflag:s6] =	ssyncadd.s32 $0xFFFFE700  }
0x73: {  	[tilespmem:s29], [sflag:$0x5] =	stream.indirect.gather [hbm4b:s12+s18], $0x40, s11, s18, $0xb8;
	[tilespmem:$0x1F880] =	vst v63  }
0x74: {  	_ =	swait.ge [sflag:s30], $0x1900  }
0x75: {  	[sflag:s30] =	ssyncset.done $0x0  }
0x76: {  	s16 =	simm.s32 $0x5418;
	[sflag:s30] =	ssyncadd.s32 $0xFFFFE700  }
0x77: {  	[spmem:s2] =	stream.indirect.scatter.add.f32 [tilespmem:s21], [sflag:$0x8], $0x40, s16, s18, $0xb8;
	[tilespmem:$0x1F880] =	vst v63  }
0x78: {  	_ =	swait.ge [sflag:s8], $0x1900  }
0x79: {  	[sflag:s8] =	ssyncset.done $0x0  }
0x7a: {  	s10 =	simm.s32 $0x9C0;
	s16 =	simm.s32 $0x478;
	[sflag:s8] =	ssyncadd.s32 $0xFFFFE700  }
.LBB2_2:
0x7b: {  	[tilespmem:s0], [sflag:$0x6] =	stream.indirect.gather [hbm4b:s12+s18], $0x40, s16, s18, $0xb8;
	[tilespmem:$0x1F880] =	vst v63  }
0x7c: {  	s16 =	smov.u32 s10  }
0x7d: {  	p0 =	sne.s32 s10, $0x12E40;
	s10 =	sadd.s32 $0x9C0, s10;
	_ =	swait.ge [sflag:s20], $0x1900  }
0x7e: {  	s16 =	sshra.s32 s16, $0x2;
	[sflag:s20] =	ssyncset.done $0x0  }
0x7f: {  	s11 =	sadd.s32 $0x5210, s16;
	[sflag:s20] =	ssyncadd.s32 $0xFFFFE700  }
0x80: {  	[spmem:s2] =	stream.indirect.scatter.add.f32 [tilespmem:s23], [sflag:$0x9], $0x40, s11, s18, $0xb8;
	[tilespmem:$0x1F880] =	vst v63  }
0x81: {  	_ =	swait.ge [sflag:s22], $0x1900  }
0x82: {  	[sflag:s22] =	ssyncset.done $0x0  }
0x83: {  	s11 =	sadd.s32 $0x270, s16;
	[sflag:s22] =	ssyncadd.s32 $0xFFFFE700  }
0x84: {  	[tilespmem:s19], [sflag:$0x1] =	stream.indirect.gather [hbm4b:s12+s18], $0x40, s11, s18, $0xb8;
	[tilespmem:$0x1F880] =	vst v63  }
0x85: {  	_ =	swait.ge [sflag:s24], $0x1900  }
0x86: {  	[sflag:s24] =	ssyncset.done $0x0  }
0x87: {  	s11 =	sadd.s32 $0x5278, s16;
	[sflag:s24] =	ssyncadd.s32 $0xFFFFE700  }
0x88: {  	[spmem:s2] =	stream.indirect.scatter.add.f32 [tilespmem:s25], [sflag:$0xA], $0x40, s11, s18, $0xb8;
	[tilespmem:$0x1F880] =	vst v63  }
0x89: {  	_ =	swait.ge [sflag:s28], $0x1900  }
0x8a: {  	[sflag:s28] =	ssyncset.done $0x0  }
0x8b: {  	s11 =	sadd.s32 $0x2D8, s16;
	[sflag:s28] =	ssyncadd.s32 $0xFFFFE700  }
0x8c: {  	[tilespmem:s21], [sflag:$0x2] =	stream.indirect.gather [hbm4b:s12+s18], $0x40, s11, s18, $0xb8;
	[tilespmem:$0x1F880] =	vst v63  }
0x8d: {  	_ =	swait.ge [sflag:s31], $0x1900  }
0x8e: {  	[sflag:s31] =	ssyncset.done $0x0  }
0x8f: {  	s11 =	sadd.s32 $0x52E0, s16;
	[sflag:s31] =	ssyncadd.s32 $0xFFFFE700  }
0x90: {  	[spmem:s2] =	stream.indirect.scatter.add.f32 [tilespmem:s29], [sflag:$0xB], $0x40, s11, s18, $0xb8;
	[tilespmem:$0x1F880] =	vst v63  }
0x91: {  	_ =	swait.ge [sflag:s1], $0x1900  }
0x92: {  	[sflag:s1] =	ssyncset.done $0x0  }
0x93: {  	s11 =	sadd.s32 $0x340, s16;
	[sflag:s1] =	ssyncadd.s32 $0xFFFFE700  }
0x94: {  	[tilespmem:s23], [sflag:$0x3] =	stream.indirect.gather [hbm4b:s12+s18], $0x40, s11, s18, $0xb8;
	[tilespmem:$0x1F880] =	vst v63  }
0x95: {  	_ =	swait.ge [sflag:s4], $0x1900  }
0x96: {  	[sflag:s4] =	ssyncset.done $0x0  }
0x97: {  	s11 =	sadd.s32 $0x5348, s16;
	[sflag:s4] =	ssyncadd.s32 $0xFFFFE700  }
0x98: {  	[spmem:s2] =	stream.indirect.scatter.add.f32 [tilespmem:s0], [sflag:$0xC], $0x40, s11, s18, $0xb8;
	[tilespmem:$0x1F880] =	vst v63  }
0x99: {  	_ =	swait.ge [sflag:s5], $0x1900  }
0x9a: {  	[sflag:s5] =	ssyncset.done $0x0  }
0x9b: {  	s11 =	sadd.s32 $0x3A8, s16;
	[sflag:s5] =	ssyncadd.s32 $0xFFFFE700  }
0x9c: {  	[tilespmem:s25], [sflag:$0x4] =	stream.indirect.gather [hbm4b:s12+s18], $0x40, s11, s18, $0xb8;
	[tilespmem:$0x1F880] =	vst v63  }
0x9d: {  	_ =	swait.ge [sflag:s26], $0x1900  }
0x9e: {  	[sflag:s26] =	ssyncset.done $0x0  }
0x9f: {  	s11 =	sadd.s32 $0x53B0, s16;
	[sflag:s26] =	ssyncadd.s32 $0xFFFFE700  }
0xa0: {  	[spmem:s2] =	stream.indirect.scatter.add.f32 [tilespmem:s19], [sflag:$0x7], $0x40, s11, s18, $0xb8;
	[tilespmem:$0x1F880] =	vst v63  }
0xa1: {  	_ =	swait.ge [sflag:s6], $0x1900  }
0xa2: {  	[sflag:s6] =	ssyncset.done $0x0  }
0xa3: {  	s11 =	sadd.s32 $0x410, s16;
	[sflag:s6] =	ssyncadd.s32 $0xFFFFE700  }
0xa4: {  	[tilespmem:s29], [sflag:$0x5] =	stream.indirect.gather [hbm4b:s12+s18], $0x40, s11, s18, $0xb8;
	[tilespmem:$0x1F880] =	vst v63  }
0xa5: {  	_ =	swait.ge [sflag:s30], $0x1900  }
0xa6: {  	[sflag:s30] =	ssyncset.done $0x0  }
.Ltmp0:
0xa7: {  	s11 =	sadd.s32 $0x5418, s16;
	[sflag:s30] =	ssyncadd.s32 $0xFFFFE700;
	(pc) =	sbr.rel @p0 .LBB2_2-.Ltmp0, $4  }
0xa8: {  	[spmem:s2] =	stream.indirect.scatter.add.f32 [tilespmem:s21], [sflag:$0x8], $0x40, s11, s18, $0xb8;
	[tilespmem:$0x1F880] =	vst v63  }
0xa9: {  	_ =	swait.ge [sflag:s8], $0x1900  }
0xaa: {  	[sflag:s8] =	ssyncset.done $0x0  }
0xab: {  	s16 =	sadd.s32 $0x478, s16;
	[sflag:s8] =	ssyncadd.s32 $0xFFFFE700  }
0xac: {  	[tilespmem:s0], [sflag:$0x6] =	stream.indirect.gather [hbm4b:s12+s18], $0x40, s16, s18, $0xb8;
	[tilespmem:$0x1F880] =	vst v63  }
0xad: {  	_ =	swait.ge [sflag:s20], $0x1900  }
0xae: {  	[sflag:s20] =	ssyncset.done $0x0  }
0xaf: {  	s10 =	simm.s32 $0xA010;
	[sflag:s20] =	ssyncadd.s32 $0xFFFFE700  }
0xb0: {  	[spmem:s2] =	stream.indirect.scatter.add.f32 [tilespmem:s23], [sflag:$0x9], $0x40, s10, s18, $0xb8;
	[tilespmem:$0x1F880] =	vst v63  }
0xb1: {  	_ =	swait.ge [sflag:s22], $0x1900  }
0xb2: {  	[sflag:s22] =	ssyncset.done $0x0  }
0xb3: {  	s11 =	simm.s32 $0x5070;
	[sflag:s22] =	ssyncadd.s32 $0xFFFFE700  }
0xb4: {  	[tilespmem:s19], [sflag:$0x1] =	stream.indirect.gather [hbm4b:s12+s18], $0x40, s11, s18, $0xb8;
	[tilespmem:$0x1F880] =	vst v63  }
0xb5: {  	_ =	swait.ge [sflag:s24], $0x1900  }
0xb6: {  	[sflag:s24] =	ssyncset.done $0x0  }
0xb7: {  	s16 =	simm.s32 $0xA078;
	[sflag:s24] =	ssyncadd.s32 $0xFFFFE700  }
0xb8: {  	[spmem:s2] =	stream.indirect.scatter.add.f32 [tilespmem:s25], [sflag:$0xA], $0x40, s16, s18, $0xb8;
	[tilespmem:$0x1F880] =	vst v63  }
0xb9: {  	_ =	swait.ge [sflag:s28], $0x1900  }
0xba: {  	[sflag:s28] =	ssyncset.done $0x0  }
0xbb: {  	s11 =	simm.s32 $0x50D8;
	[sflag:s28] =	ssyncadd.s32 $0xFFFFE700  }
0xbc: {  	[tilespmem:s21], [sflag:$0x2] =	stream.indirect.gather [hbm4b:s12+s18], $0x40, s11, s18, $0xb8;
	[tilespmem:$0x1F880] =	vst v63  }
0xbd: {  	_ =	swait.ge [sflag:s31], $0x1900  }
0xbe: {  	[sflag:s31] =	ssyncset.done $0x0  }
0xbf: {  	s16 =	simm.s32 $0xA0E0;
	[sflag:s31] =	ssyncadd.s32 $0xFFFFE700  }
0xc0: {  	[spmem:s2] =	stream.indirect.scatter.add.f32 [tilespmem:s29], [sflag:$0xB], $0x40, s16, s18, $0xb8;
	[tilespmem:$0x1F880] =	vst v63  }
0xc1: {  	_ =	swait.ge [sflag:s1], $0x1900  }
0xc2: {  	[sflag:s1] =	ssyncset.done $0x0  }
0xc3: {  	[sflag:s1] =	ssyncadd.s32 $0xFFFFE700  }
0xc4: {  	_ =	swait.ge [sflag:s4], $0x1900  }
0xc5: {  	[sflag:s4] =	ssyncset.done $0x0  }
0xc6: {  	s11 =	simm.s32 $0xA148;
	[sflag:s4] =	ssyncadd.s32 $0xFFFFE700  }
0xc7: {  	[spmem:s2] =	stream.indirect.scatter.add.f32 [tilespmem:s0], [sflag:$0xC], $0x40, s11, s18, $0xb8;
	[tilespmem:$0x1F880] =	vst v63  }
0xc8: {  	_ =	swait.ge [sflag:s5], $0x1900  }
0xc9: {  	[sflag:s5] =	ssyncset.done $0x0  }
0xca: {  	[sflag:s5] =	ssyncadd.s32 $0xFFFFE700  }
0xcb: {  	_ =	swait.ge [sflag:s26], $0x1900  }
0xcc: {  	[sflag:s26] =	ssyncset.done $0x0  }
0xcd: {  	s16 =	simm.s32 $0xA1B0;
	[sflag:s26] =	ssyncadd.s32 $0xFFFFE700  }
0xce: {  	[spmem:s2] =	stream.indirect.scatter.add.f32 [tilespmem:s19], [sflag:$0x7], $0x40, s16, s18, $0xb8;
	[tilespmem:$0x1F880] =	vst v63  }
0xcf: {  	_ =	swait.ge [sflag:s6], $0x1900  }
0xd0: {  	[sflag:s6] =	ssyncset.done $0x0  }
0xd1: {  	[sflag:s6] =	ssyncadd.s32 $0xFFFFE700  }
0xd2: {  	_ =	swait.ge [sflag:s30], $0x1900  }
0xd3: {  	[sflag:s30] =	ssyncset.done $0x0  }
0xd4: {  	s11 =	simm.s32 $0xA218;
	[sflag:s30] =	ssyncadd.s32 $0xFFFFE700  }
0xd5: {  	[spmem:s2] =	stream.indirect.scatter.add.f32 [tilespmem:s21], [sflag:$0x8], $0x40, s11, s18, $0xb8;
	[tilespmem:$0x1F880] =	vst v63  }
0xd6: {  	_ =	swait.ge [sflag:s8], $0x1900  }
0xd7: {  	[sflag:s8] =	ssyncset.done $0x0  }
0xd8: {  	[sflag:s8] =	ssyncadd.s32 $0xFFFFE700  }
0xd9: {  	_ =	swait.ge [sflag:s22], $0x1900  }
0xda: {  	[sflag:s22] =	ssyncset.done $0x0  }
0xdb: {  	[sflag:s22] =	ssyncadd.s32 $0xFFFFE700  }
0xdc: {  	s16 =	stileid.u32;
	_ =	swait.ge [sflag:s28], $0x1900  }
0xdd: {  	s9 =	sadd.s32 $0x1, s9;
	s10 =	sshll.u32 s16, $0x6;
	[sflag:s28] =	ssyncset.done $0x0  }
0xde: {  	p0 =	sne.s32 s9, s14;
	s10 =	sor.u32 $0x1C0D, s10;
	[sflag:s28] =	ssyncadd.s32 $0xFFFFE700  }
.Ltmp1:
0xdf: {  	s11 =	sshrl.u32 s7, $0x3;
	[bflag:$0x0] =	sbarrier.arrive $0xFFFF;
	(pc) =	sbr.rel @p0 .LBB2_1-.Ltmp1, $4  }
0xe0: {  	[hbm:s13], [sflag:s10] =	dma.local [spmem:s11], $0x1400  }
0xe1: {  	_ =	swait.ge [sflag:s15], $0x1400  }
0xe2: {  	[sflag:s15] =	ssyncset.done $0x0  }
0xe3: {  	[sflag:s15] =	ssyncadd.s32 $0xFFFFEC00  }
0xe4: {  	_ =	sfence.sel $0x180000  }
0xe5: {  	[bflag:$0x0] =	sbarrier.arrive $0xFFFF  }
0xe6: {  	_ =	strace $0x9000004A  }
0xe7: {  	s0 =	stileid.u32;
	[bflag:$0x2] =	sbarrier.arrive $0xFFFF  }
0xe8: {  	p0 =	sne.s32 s0, $0x0;
	s0 =	rddreg [dreg:$0x3]  }
0xe9: {  	s0 =	sadd.s32 @!p0 $0x100000, s0  }
0xea: {  	[sflag:s0] =	ssyncadd.tile.s32 @!p0 $0x1;
	_ =	shalt  }
.Lfunc_end2:
_tile_overlayer_lowered:
.L_overlay_start_2:
0xeb: {  	(tag) =	ssettag $0x2  }
0xec: {  	s0 =	rddreg [dreg:$0x0];
	s2 =	stileid.u32  }
0xed: {  	s1 =	rddreg [dreg:$0x1];
	p0 =	sne.s32 s2, $0x0  }
0xee: {  	s3 =	rddreg [dreg:$0x2];
	[bflag:$0x3] =	sbarrier.arrive $0xFFFF;
	s2 =	simm.s32 @!p0 $0x1C0D  }
0xef: {  	[timem:s3], [sflag:s2] =	dma.local @!p0 [hbm:s0], s1  }
0xf0: {  	s0 =	simm.s32 @!p0 $0xD  }
0xf1: {  	_ =	swait.ge @!p0 [sflag:s0], s1  }
0xf2: {  	s1 =	ssub.s32 @!p0 $0x0, s1;
	[sflag:s0] =	ssyncset.done @!p0 $0x0  }
0xf3: {  	[sflag:s0] =	ssyncadd.s32 @!p0 s1  }
0xf4: {  	[bflag:$0x3] =	sbarrier.arrive $0xFFFF  }
0xf5: {  	_ =	shalt  }

// kernel: kernel.7.cloned.1.call-start
scs
__scs_entry_jumppad:
0x0: {  	(pc) =	sbr.rel $0x88, $3  }
0x1: {  	(tag) =	ssettag $0x0;
	lr =	simm.s32 $0x1  }
0x2: {  	[smem:$0x3F99] =	sst lr;
	_ =	strace $0xD0000000  }
0x3: {  	_ = 	snop  }
0x4: {  	_ = 	snop  }
0x5: {  	_ = 	snop  }
0x6: {  	_ = 	snop  }
0x7: {  	_ = 	snop  }
__scs_overlays_trampoline_lowered:
0x8: {  	[smem:$0x3FA8] =	sst s0  }
0x9: {  	[smem:$0x3FA9] =	sst s1  }
0xa: {  	[smem:$0x3FAA] =	sst s2  }
0xb: {  	[smem:$0x3FAB] =	sst s3  }
0xc: {  	[smem:$0x3FAC] =	sst s4  }
0xd: {  	[smem:$0x3FAD] =	sst s5  }
0xe: {  	[smem:$0x3FAE] =	sst s6  }
0xf: {  	[smem:$0x3FAF] =	sst s7  }
0x10: {  	[smem:$0x3FB0] =	sst s8  }
0x11: {  	[smem:$0x3FB1] =	sst s9;
	s0 =	simm.s32 @!p0 $0x0  }
0x12: {  	s1 =	sld [smem:$0x3F97];
	s0 =	simm.s32 @p0 $0x1  }
0x13: {  	[smem:$0x3FB2] =	sst s0;
	s0 =	simm.s32 @!p1 $0x0  }
0x14: {  	s2 =	sld [smem:$0x3F96];
	s0 =	simm.s32 @p1 $0x1  }
0x15: {  	[smem:$0x3FB3] =	sst s0;
	s0 =	simm.s32 @!p2 $0x0  }
0x16: {  	s3 =	sld [smem:$0x3FDB];
	s0 =	simm.s32 @p2 $0x1  }
0x17: {  	s4 =	simm.s32 $0x1BF5;
	[smem:$0x3FB5] =	sst s0  }
0x18: {  	s0 =	sld [smem:$0x3F98];
	_ =	swait.ge [sflag:s4], $0x0  }
0x19: {  	s7 =	sld [smem:$0x3F99]  }
0x1a: {  	s8 =	sadd.s32 $0xFFFFE003, lr  }
0x1b: {  	s9 =	sadd.s32 $0xFFFFFEF7, lr;
	s5 =	simm.s32 $0xFFFFFFFF;
	p2 =	slt.u32 s8, $0xFFFFF086  }
0x1c: {  	p1 =	slt.u32 s9, $0xF7A;
	s5 =	simm.s32 @!p2 $0x0  }
0x1d: {  	s5 =	simm.s32 @p1 $0x1;
	p0 =	seq.s32 s7, s2  }
0x1e: {  	s7 =	smul.u32 @!p0 $0xF7A, s2;
	p2 =	seq.s32 @!p0 s5, $0x0  }
0x1f: {  	s9 =	smul.u32 $0xF7A, s1;
	s8 =	simm.s32 @!p0 $0x1BF5;
	p2 =	por !p2, p0  }
0x20: {  	[sflag:s8] =	ssyncset.s32 @!p0 $0xFFFFF086;
	s6 =	sadd.s32 @!p0 s3, s7;
	s7 =	simm.s32 @!p0 $0x108  }
0x21: {  	s3 =	sadd.s32 s3, s9;
	s6 =	sadd.s32 @!p0 $0x88, s6;
	s7 =	simm.s32 @p2 $0x1082  }
0x22: {  	[simem:s7], [sflag:s8] =	dma.local @!p0 [hbm:s6], $0xF7A  }
0x23: {  	s9 =	sor.u32 $0xD0000000, s2;
	s6 =	simm.s32 $0x108;
	_ =	swait.ge @!p0 [sflag:s8], $0x0  }
0x24: {  	s3 =	sadd.s32 $0x88, s3;
	s6 =	simm.s32 @!p1 $0x1082;
	[sflag:s4] =	ssyncset.s32 $0xFFFFF086  }
0x25: {  	[simem:s6], [sflag:s4] =	dma.local [hbm:s3], $0xF7A  }
0x26: {  	[smem:$0x3F99] =	sst s1;
	(tag) =	ssettag s2;
	_ =	strace s9  }
0x27: {  	s1 =	sld [smem:$0x3FA9]  }
0x28: {  	s2 =	sld [smem:$0x3FAA]  }
0x29: {  	s4 =	sld [smem:$0x3FAC]  }
0x2a: {  	p0 =	seq.s32 s5, $0x0;
	s5 =	sld [smem:$0x3FAD]  }
0x2b: {  	s6 =	sld [smem:$0x3FAE]  }
0x2c: {  	s7 =	sld [smem:$0x3FAF]  }
0x2d: {  	s3 =	simm.s32 $0x108;
	s8 =	sld [smem:$0x3FB0]  }
0x2e: {  	s3 =	simm.s32 @!p0 $0x1082;
	s9 =	sld [smem:$0x3FB1]  }
0x2f: {  	lr =	sadd.s32 s0, s3;
	s0 =	sld [smem:$0x3FA8]  }
0x30: {  	s3 =	sld [smem:$0x3FAB]  }
0x31: {  	[smem:$0x3FB4] =	sst s10  }
0x32: {  	s10 =	sld [smem:$0x3FB2];
	_ =	sdelay $0x3  }
0x33: {  	p0 =	seq.s32 s10, $0x1;
	s10 =	sld [smem:$0x3FB4];
	_ =	sdelay $0x3  }
0x34: {  	[smem:$0x3FB4] =	sst s10  }
0x35: {  	s10 =	sld [smem:$0x3FB3];
	_ =	sdelay $0x3  }
0x36: {  	p1 =	seq.s32 s10, $0x1;
	s10 =	sld [smem:$0x3FB4];
	_ =	sdelay $0x3  }
0x37: {  	[smem:$0x3FB4] =	sst s10  }
0x38: {  	s10 =	sld [smem:$0x3FB5]  }
0x39: {  	_ = 	snop;
	(pc) =	sbr.ind lr, $3  }
0x3a: {  	_ = 	snop  }
0x3b: {  	_ = 	snop  }
0x3c: {  	p2 =	seq.s32 s10, $0x1;
	s10 =	sld [smem:$0x3FB4]  }
0x3d: {  	_ =	shalt  }
0x3e: {  	_ =	shalt  }
0x3f: {  	_ =	shalt  }
0x40: {  	_ =	shalt  }
0x41: {  	_ =	shalt  }
0x42: {  	_ =	shalt  }
0x43: {  	_ =	shalt  }
0x44: {  	_ =	shalt  }
0x45: {  	_ =	shalt  }
0x46: {  	_ =	shalt  }
0x47: {  	_ =	shalt  }
0x48: {  	_ =	shalt  }
0x49: {  	_ =	shalt  }
0x4a: {  	_ =	shalt  }
0x4b: {  	_ =	shalt  }
0x4c: {  	_ =	shalt  }
0x4d: {  	_ =	shalt  }
0x4e: {  	_ =	shalt  }
0x4f: {  	_ =	shalt  }
0x50: {  	_ =	shalt  }
0x51: {  	_ =	shalt  }
0x52: {  	_ =	shalt  }
0x53: {  	_ =	shalt  }
0x54: {  	_ =	shalt  }
0x55: {  	_ =	shalt  }
0x56: {  	_ =	shalt  }
0x57: {  	_ =	shalt  }
0x58: {  	_ =	shalt  }
0x59: {  	_ =	shalt  }
0x5a: {  	_ =	shalt  }
0x5b: {  	_ =	shalt  }
0x5c: {  	_ =	shalt  }
0x5d: {  	_ =	shalt  }
0x5e: {  	_ =	shalt  }
0x5f: {  	_ =	shalt  }
0x60: {  	_ =	shalt  }
0x61: {  	_ =	shalt  }
0x62: {  	_ =	shalt  }
0x63: {  	_ =	shalt  }
0x64: {  	_ =	shalt  }
0x65: {  	_ =	shalt  }
0x66: {  	_ =	shalt  }
0x67: {  	_ =	shalt  }
0x68: {  	_ =	shalt  }
0x69: {  	_ =	shalt  }
0x6a: {  	_ =	shalt  }
0x6b: {  	_ =	shalt  }
0x6c: {  	_ =	shalt  }
0x6d: {  	_ =	shalt  }
0x6e: {  	_ =	shalt  }
0x6f: {  	_ =	shalt  }
0x70: {  	_ =	shalt  }
0x71: {  	_ =	shalt  }
0x72: {  	_ =	shalt  }
0x73: {  	_ =	shalt  }
0x74: {  	_ =	shalt  }
0x75: {  	_ =	shalt  }
0x76: {  	_ =	shalt  }
0x77: {  	_ =	shalt  }
0x78: {  	_ =	shalt  }
0x79: {  	_ =	shalt  }
0x7a: {  	_ =	shalt  }
0x7b: {  	_ =	shalt  }
0x7c: {  	_ =	shalt  }
0x7d: {  	_ =	shalt  }
0x7e: {  	_ =	shalt  }
0x7f: {  	_ =	shalt  }
0x80: {  	_ =	shalt  }
0x81: {  	_ =	shalt  }
0x82: {  	_ =	shalt  }
0x83: {  	_ =	shalt  }
0x84: {  	_ =	shalt  }
0x85: {  	_ =	shalt  }
0x86: {  	_ =	shalt  }
0x87: {  	_ =	shalt  }
.Lfunc_end0:
.L_simem_size_0:
called_computation.1_lowered:
.L_overlay_start_0:
0x88: {  	s2 =	sld [smem:$0x3FD9]  }
0x89: {  	s3 =	sld [smem:$0x3FFE];
	_ =	sdelay $0x1  }
0x8a: {  	s1 =	srdreg.scid  }
0x8b: {  	s0 =	sand.u32 $0x1, s1  }
0x8c: {  	s17 =	sshll.u32 s0, $0xA;
	s2 =	sadd.s32 s3, s2  }
0x8d: {  	s2 =	sadd.s32 s2, s17  }
0x8e: {  	[smem:$0x3FC0] =	sst s2  }
0x8f: {  	_ = 	snop  }
0x90: {  	s2 =	sld [smem:$0x3FD0];
	(tm) =	ssettm $0x1  }
0x91: {  	s18 =	sld [smem:$0x3FFB];
	_ =	sdelay $0x3  }
0x92: {  	_ =	strace s18  }
0x93: {  	s3 =	sld [smem:$0x3FFC];
	_ =	sdelay $0x3  }
0x94: {  	_ =	strace s3  }
0x95: {  	s3 =	sld [smem:$0x3FFD];
	_ =	sdelay $0x3  }
0x96: {  	_ =	strace s3  }
0x97: {  	_ =	strace $0x8FFFFFFF  }
0x98: {  	s19 =	sld [smem:$0x3FDB];
	_ =	sdelay $0x1  }
0x99: {  	s4 =	simm.s32 $_scs_section_size  }
0x9a: {  	s5 =	simm.s32 $_size__tile_overlayer_lowered;
	s6 =	simm.s32 $_tile_overlayer_lowered  }
0x9b: {  	s22 =	simm.s32 $0x1BFF;
	s21 =	sshll.u32 s6, $0x1;
	s3 =	sadd.s32 s4, s19  }
0x9c: {  	s7 =	simm.s32 $0x0;
	s20 =	sshll.u32 s5, $0x1;
	s5 =	sadd.s32 s21, s3  }
0x9d: {  	[timem:s7], [sflag:s22] =	dma.local [hbm:s5], s20  }
0x9e: {  	_ =	swait.ge [sflag:s22], s20  }
0x9f: {  	s4 =	ssub.s32 $0x0, s20;
	[sflag:s22] =	ssyncset.done $0x0  }
0xa0: {  	[sflag:s22] =	ssyncadd.s32 s4;
	_ =	sdelay $0x1  }
0xa1: {  	s23 =	simm.s32 $0x1B8B  }
0xa2: {  	_ =	swait.ge [sflag:s23], $0x1  }
0xa3: {  	[sflag:s23] =	ssyncset.done $0x0  }
0xa4: {  	s25 =	simm.s32 $0x1B8E;
	s24 =	sld [smem:$0x3FFE];
	[sflag:s23] =	ssyncadd.s32 $0xFFFFFFFF  }
0xa5: {  	s26 =	simm.s32 $execute0_lowered;
	[smem:$0x3FD2] =	sst s25  }
0xa6: {  	s5 =	sshll.u32 s26, $0x1;
	_ =	strace $0x80000046;
	[dreg:$0x1] =	wrdreg $0xFFFFFFFF  }
0xa7: {  	s28 =	simm.s32 $_size_execute0_lowered;
	s3 =	sadd.s32 s3, s5;
	[dreg:$0x0] =	wrdreg $0x0  }
0xa8: {  	s5 =	sshll.u32 s28, $0x1;
	[dreg:$0x2] =	wrdreg s3  }
0xa9: {  	[dreg:$0x3] =	wrdreg s5  }
0xaa: {  	[dreg:$0x4] =	wrdreg $0xC0  }
0xab: {  	_ =	task [dreg:s7], $0x5FFFF  }
0xac: {  	[dreg:$0x1] =	wrdreg $0xFFFFFFFF  }
0xad: {  	[dreg:$0x0] =	wrdreg $0x60  }
0xae: {  	[dreg:$0x2] =	wrdreg s2  }
0xaf: {  	[dreg:$0x3] =	wrdreg s24  }
0xb0: {  	[dreg:$0x4] =	wrdreg $0x36E00  }
0xb1: {  	[dreg:$0x5] =	wrdreg $0x9  }
0xb2: {  	_ =	task.clear_ibuf [dreg:s7], $0x6FFFF;
	_ =	strace $0x90000046  }
0xb3: {  	s29 =	simm.s32 $0x9;
	_ =	strace $0x80000048  }
0xb4: {  	_ =	swait.ge [sflag:s29], $0x1  }
0xb5: {  	[sflag:s29] =	ssyncadd.s32 $0xFFFFFFFF  }
0xb6: {  	_ =	strace $0x90000048  }
0xb7: {  	_ =	sfence  }
0xb8: {  	s30 =	sld [smem:$0x0];
	_ =	sdelay $0x2  }
0xb9: {  	s31 =	sshll.u32 s1, $0xD;
	s1 =	sshrl.u32 s1, $0x2  }
0xba: {  	s3 =	sand.u32 $0x4000, s31;
	s1 =	sadd.s32 s1, s30  }
0xbb: {  	s0 =	sor.u32 s3, s0;
	s1 =	sshll.u32 s1, $0x11  }
0xbc: {  	s0 =	sor.u32 s1, s0  }
0xbd: {  	s0 =	sadd.s32 $0x8F2B, s0  }
0xbe: {  	[sflag:s0] =	ssyncadd.remote.s32 $0x1  }
0xbf: {  	_ =	sfence.sel $0xFFFF  }
0xc0: {  	[dreg:$0x0] =	wrdreg $0xFFFFFFFF;
	(pc) =	sbr.abs _section_cstart, $3  }
0xc1: {  	[dreg:$0x1] =	wrdreg $0xFFFFFFFF  }
0xc2: {  	_ =	task.clear_ibuf [dreg:s7], $0x2FFFF;
	_ =	strace $0x9FFFFFFF  }
0xc3: {  	(tm) =	ssettm $0x7FFFFFFF  }
tec
execute0_lowered:
.L_overlay_start_1:
0x0: {  	(tag) =	ssettag $0x1  }
0x1: {  	s6 =	rddreg [dreg:$0x0]  }
0x2: {  	s7 =	rddreg [dreg:$0x1]  }
0x3: {  	s2 =	rddreg [dreg:$0x2]  }
0x4: {  	s0 =	rddreg [dreg:$0x3];
	s3 =	simm.s32 $0x0;
	s4 =	srdreg.scid  }
0x5: {  	s1 =	stileid.u32;
	s15 =	simm.s32 $0x28A0;
	s16 =	simm.s32 $0x2EE0  }
0x6: {  	s17 =	simm.s32 $0x64;
	s20 =	simm.s32 $0x0;
	[smem:$0x7FF] =	sst s3  }
0x7: {  	s8 =	sand.u32 $0x1, s4;
	s9 =	smul.u32 $0x2800, s1;
	s4 =	sadd.s32 $0x2A00, s7  }
0x8: {  	s5 =	sadd.s32 $0x2800, s7;
	s11 =	sshll.u32 s1, $0x1;
	s12 =	smul.u32 $0xA000, s1  }
0x9: {  	s18 =	sshll.u32 s1, $0x6;
	_ =	strace $0x80000047;
	s10 =	smul.u32 $0x28000, s8  }
0xa: {  	s11 =	sor.u32 s8, s11;
	s8 =	ssub.s32 $0x2, s8;
	s18 =	sor.u32 $0x1C01, s18  }
0xb: {  	s11 =	smul.u32 $0x514, s11;
	s29 =	sshrl.u32 s8, $0x1;
	s30 =	sshrl.u32 s12, $0x2  }
0xc: {  	s10 =	sadd.s32 s9, s10;
	s14 =	ssub.s32 s8, s29;
	s31 =	sadd.s32 s30, s2  }
0xd: {  	s10 =	sshrl.u32 s10, $0x3;
	s6 =	sadd.s32 s6, s11;
	s8 =	sadd.s32 $0x800, s31  }
0xe: {  	s11 =	sadd.s32 $0x2000, s31;
	s13 =	sadd.s32 s10, s7;
	s7 =	sadd.s32 s9, s2  }
0xf: {  	s9 =	sadd.s32 $0x1000, s31;
	s10 =	sadd.s32 $0x1800, s31;
	s12 =	sadd.s32 $0x2C00, s13  }
0x10: {  	s13 =	smax.u32 s14, $0x1;
	s14 =	simm.s32 $0x1;
	s19 =	sshrl.u32 s7, $0x3  }
.LBB2_1:
0x11: {  	[tilespmem:s3], [sflag:$0x1] =	stream.linear.gather [hbm4b:s6+s3], $0x28A0, $0x38;
	[tilespmem:$0x5EE0] =	vst v63  }
0x12: {  	_ =	swait.ge [sflag:s14], $0x28A0  }
0x13: {  	[sflag:s14] =	ssyncset.done $0x0  }
0x14: {  	[sflag:s14] =	ssyncadd.s32 $0xFFFFD760  }
0x15: {  	[tilespmem:s15], [sflag:$0x1] =	stream.linear.gather [hbm4b:s4+s3], $0x640, $0x38;
	[tilespmem:$0x5EE0] =	vst v63  }
0x16: {  	_ =	swait.ge [sflag:s14], $0x640  }
0x17: {  	[sflag:s14] =	ssyncset.done $0x0  }
0x18: {  	[sflag:s14] =	ssyncadd.s32 $0xFFFFF9C0  }
0x19: {  	[tilespmem:s16], [sflag:$0x1] =	stream.linear.gather [hbm4b:s5+s3], $0x800, $0x38;
	[tilespmem:$0x5EE0] =	vst v63  }
0x1a: {  	_ =	swait.ge [sflag:s14], $0x800  }
0x1b: {  	[sflag:s14] =	ssyncset.done $0x0  }
0x1c: {  	[sflag:s14] =	ssyncadd.s32 $0xFFFFF800  }
0x1d: {  	[spmem:s7] =	stream.linear.scatter [tilespmem:s16], [sflag:$0x1], $0x800, $0x38;
	[tilespmem:$0x5EE0] =	vst v63  }
0x1e: {  	_ =	swait.ge [sflag:s14], $0x800  }
0x1f: {  	[sflag:s14] =	ssyncset.done $0x0  }
0x20: {  	[sflag:s14] =	ssyncadd.s32 $0xFFFFF800  }
0x21: {  	[spmem:s8] =	stream.linear.scatter [tilespmem:s16], [sflag:$0x1], $0x800, $0x38;
	[tilespmem:$0x5EE0] =	vst v63  }
0x22: {  	_ =	swait.ge [sflag:s14], $0x800  }
0x23: {  	[sflag:s14] =	ssyncset.done $0x0  }
0x24: {  	[sflag:s14] =	ssyncadd.s32 $0xFFFFF800  }
0x25: {  	[spmem:s9] =	stream.linear.scatter [tilespmem:s16], [sflag:$0x1], $0x800, $0x38;
	[tilespmem:$0x5EE0] =	vst v63  }
0x26: {  	_ =	swait.ge [sflag:s14], $0x800  }
0x27: {  	[sflag:s14] =	ssyncset.done $0x0  }
0x28: {  	[sflag:s14] =	ssyncadd.s32 $0xFFFFF800  }
0x29: {  	[spmem:s10] =	stream.linear.scatter [tilespmem:s16], [sflag:$0x1], $0x800, $0x38;
	[tilespmem:$0x5EE0] =	vst v63  }
0x2a: {  	_ =	swait.ge [sflag:s14], $0x800  }
0x2b: {  	[sflag:s14] =	ssyncset.done $0x0  }
0x2c: {  	[sflag:s14] =	ssyncadd.s32 $0xFFFFF800  }
0x2d: {  	[spmem:s11] =	stream.linear.scatter [tilespmem:s16], [sflag:$0x1], $0x800, $0x38;
	[tilespmem:$0x5EE0] =	vst v63  }
0x2e: {  	_ =	swait.ge [sflag:s14], $0x800  }
0x2f: {  	[sflag:s14] =	ssyncset.done $0x0  }
0x30: {  	[sflag:s14] =	ssyncadd.s32 $0xFFFFF800  }
0x31: {  	s21 =	simm.s32 $0x0;
	[bflag:$0x0] =	sbarrier.arrive $0xFFFF  }
0x32: {  	[spmem:s2] =	stream.indirect.scatter.add.f32 [tilespmem:s15], [sflag:$0x1], $0x10, s21, s17, $0xb8;
	[tilespmem:$0x5EE0] =	vst v63  }
0x33: {  	_ =	swait.ge [sflag:s14], $0x640  }
0x34: {  	s21 =	simm.s32 $0x1A0;
	[sflag:s14] =	ssyncset.done $0x0  }
.LBB2_2:
0x35: {  	s22 =	sshra.s32 s21, $0x2;
	[sflag:s14] =	ssyncadd.s32 $0xFFFFF9C0;
	p0 =	sne.s32 s21, $0xA0E0  }
0x36: {  	[spmem:s2] =	stream.indirect.scatter.add.f32 [tilespmem:s15], [sflag:$0x1], $0x10, s22, s17, $0xb8;
	[tilespmem:$0x5EE0] =	vst v63  }
.Ltmp0:
0x37: {  	_ = 	snop;
	(pc) =	sbr.rel @p0 .LBB2_2-.Ltmp0, $4  }
0x38: {  	_ = 	snop  }
0x39: {  	s21 =	sadd.s32 $0x1A0, s21  }
0x3a: {  	_ =	swait.ge [sflag:s14], $0x640  }
0x3b: {  	[sflag:s14] =	ssyncset.done $0x0  }
0x3c: {  	s20 =	sadd.s32 $0x1, s20  }
0x3d: {  	[sflag:s14] =	ssyncadd.s32 $0xFFFFF9C0;
	p0 =	sne.s32 s20, s13  }
.Ltmp1:
0x3e: {  	[bflag:$0x0] =	sbarrier.arrive $0xFFFF;
	(pc) =	sbr.rel @p0 .LBB2_1-.Ltmp1, $4  }
0x3f: {  	[hbm:s12], [sflag:s18] =	dma.local [spmem:s19], $0x500  }
0x40: {  	_ =	swait.ge [sflag:s14], $0x500  }
0x41: {  	[sflag:s14] =	ssyncset.done $0x0  }
0x42: {  	[sflag:s14] =	ssyncadd.s32 $0xFFFFFB00  }
0x43: {  	_ =	sfence.sel $0x180000  }
0x44: {  	[bflag:$0x0] =	sbarrier.arrive $0xFFFF  }
0x45: {  	p0 =	sne.s32 s1, $0x0;
	_ =	strace $0x90000047  }
0x46: {  	s0 =	sadd.s32 @!p0 $0x100000, s0;
	[bflag:$0x2] =	sbarrier.arrive $0xFFFF  }
0x47: {  	[sflag:s0] =	ssyncadd.tile.s32 @!p0 $0x1;
	_ =	shalt  }
.Lfunc_end2:
_tile_overlayer_lowered:
.L_overlay_start_2:
0x48: {  	(tag) =	ssettag $0x2  }
0x49: {  	s0 =	rddreg [dreg:$0x0];
	s2 =	stileid.u32  }
0x4a: {  	s1 =	rddreg [dreg:$0x1];
	p0 =	sne.s32 s2, $0x0  }
0x4b: {  	s3 =	rddreg [dreg:$0x2];
	[bflag:$0x3] =	sbarrier.arrive $0xFFFF;
	s2 =	simm.s32 @!p0 $0x1C01  }
0x4c: {  	[timem:s3], [sflag:s2] =	dma.local @!p0 [hbm:s0], s1  }
0x4d: {  	s0 =	simm.s32 @!p0 $0x1  }
0x4e: {  	_ =	swait.ge @!p0 [sflag:s0], s1  }
0x4f: {  	s1 =	ssub.s32 @!p0 $0x0, s1;
	[sflag:s0] =	ssyncset.done @!p0 $0x0  }
0x50: {  	[sflag:s0] =	ssyncadd.s32 @!p0 s1  }
0x51: {  	[bflag:$0x3] =	sbarrier.arrive $0xFFFF  }
0x52: {  	_ =	shalt  }

</sc_bundles>
